<compile_context>
chip_gen: v7x
topology: tpu7x:2x2x1
jax: 0.10.2.dev20260603
libtpu: 0.0.44.dev20260713+nightly
codegen_flags: <defaults>
</compile_context>

<pallas_src>
import functools
import math

import jax
import jax.numpy as jnp
from jax import lax
from jax.experimental import pallas as pl
from jax.experimental.pallas import tpu as pltpu
from jax.experimental.pallas import tpu_sc as plsc

D_MODEL = 64
SCALE = math.sqrt(D_MODEL)
LANES = 16

_NC = 2
_NS = 16
_NW = _NC * _NS
_NBUF = 4
_CH = 256
_TBLK = 8192


def _make_gather_kernel(B, V):
    assert B % (_NW * _CH) == 0
    b_per_w = B // _NW
    nchunks = b_per_w // _CH

    mesh = plsc.VectorSubcoreMesh(core_axis_name="c", subcore_axis_name="s")

    @functools.partial(
        pl.kernel,
        mesh=mesh,
        out_type=jax.ShapeDtypeStruct((B, D_MODEL), jnp.float32),
        compiler_params=pltpu.CompilerParams(
            use_tc_tiling_on_sc=False, needs_layout_passes=False
        ),
        scratch_types=[
            pltpu.VMEM((b_per_w,), jnp.int32),
        ]
        + [pltpu.VMEM((_CH, D_MODEL), jnp.float32) for _ in range(_NBUF)]
        + [pltpu.SemaphoreType.DMA for _ in range(2 * _NBUF)],
    )
    def gather_scale(idx_hbm, table_hbm, out_hbm, idx_v, *bufs_and_sems):
        rows = bufs_and_sems[:_NBUF]
        gsem = bufs_and_sems[_NBUF : 2 * _NBUF]
        ssem = bufs_and_sems[2 * _NBUF :]

        wid = lax.axis_index("s") * _NC + lax.axis_index("c")
        base = wid * b_per_w
        pltpu.sync_copy(idx_hbm.at[pl.ds(base, b_per_w)], idx_v)

        def gather(c, b):
            return pltpu.make_async_copy(
                table_hbm.at[idx_v.at[pl.ds(c * _CH, _CH)]], rows[b], gsem[b]
            )

        def store(c, b):
            return pltpu.make_async_copy(
                rows[b], out_hbm.at[pl.ds(base + c * _CH, _CH)], ssem[b]
            )

        def scale(b):
            def row_body(i, carry):
                for j in range(D_MODEL // LANES):
                    sl = pl.ds(j * LANES, LANES)
                    rows[b][i, sl] = rows[b][i, sl] * SCALE
                return carry

            lax.fori_loop(0, _CH, row_body, 0, unroll=8)

        DIST = _NBUF - 2

        for b in range(DIST):
            gather(b, b).start()

        def outer(i, carry):
            c0 = i * _NBUF
            for b in range(_NBUF):
                c = c0 + b
                g = c + DIST
                gb = (b + DIST) % _NBUF

                @pl.when(jnp.logical_and(g < nchunks, g >= _NBUF))
                def _():
                    store(g - _NBUF, gb).wait()

                @pl.when(g < nchunks)
                def _():
                    gather(g, gb).start()

                gather(c, b).wait()
                scale(b)
                store(c, b).start()
            return carry

        lax.fori_loop(0, nchunks // _NBUF, outer, 0)

        for b in range(_NBUF):
            store(nchunks - _NBUF + b, b).wait()

    return gather_scale


def _table_relayout_body(tt_ref, eye_ref, out_ref):
    out_ref[...] = lax.dot_general(
        tt_ref[...],
        eye_ref[...],
        dimension_numbers=(((0,), (0,)), ((), ())),
        preferred_element_type=jnp.float32,
    )


def _make_table_relayout(V):
    grid = (V + _TBLK - 1) // _TBLK

    return pl.pallas_call(
        _table_relayout_body,
        grid=(grid,),
        in_specs=[
            pl.BlockSpec((D_MODEL, _TBLK), lambda i: (0, i)),
            pl.BlockSpec((D_MODEL, D_MODEL), lambda i: (0, 0)),
        ],
        out_specs=pl.BlockSpec((_TBLK, D_MODEL), lambda i: (i, 0)),
        out_shape=jax.ShapeDtypeStruct((V, D_MODEL), jnp.float32),
        compiler_params=pltpu.CompilerParams(
            dimension_semantics=("parallel",)
        ),
    )


def _out_relayout_body(rows_ref, eye_ref, out_ref):
    out_ref[...] = lax.dot_general(
        eye_ref[...],
        rows_ref[...],
        dimension_numbers=(((1,), (1,)), ((), ())),
        preferred_element_type=jnp.float32,
    )


def _make_out_relayout(S0, S1):
    return pl.pallas_call(
        _out_relayout_body,
        grid=(S1,),
        in_specs=[
            pl.BlockSpec((S0, D_MODEL), lambda i: (i, 0)),
            pl.BlockSpec((D_MODEL, D_MODEL), lambda i: (0, 0)),
        ],
        out_specs=pl.BlockSpec((D_MODEL, S0), lambda i: (i, 0)),
        out_shape=jax.ShapeDtypeStruct((S1 * D_MODEL, S0), jnp.float32),
        compiler_params=pltpu.CompilerParams(
            dimension_semantics=("arbitrary",)
        ),
    )


def kernel(x, table):
    S0, S1 = x.shape
    B = S0 * S1
    V = table.shape[0]
    xt = jnp.swapaxes(x, 0, 1)
    idx = xt.reshape(B).astype(jnp.int32)
    eye = jnp.eye(D_MODEL, dtype=jnp.float32)
    rows = _make_gather_kernel(B, V)(idx, table)
    out2d = _make_out_relayout(S0, S1)(rows, eye)
    return out2d.reshape(S1, D_MODEL, S0).transpose(2, 0, 1)

# --- scband reference (transcript-rebuilt; emitter-appended) ---
"""Pipeline reference for scband-embeddings-27857157882297 (READ-ONLY COPY).

The authoritative reference and input builder live on the scoring server;
editing this copy changes nothing except your own understanding.
"""

import jax, jax.numpy as jnp
import numpy as np
import math

D_MODEL = 64
VOCAB = 1000000

def setup_inputs(seed: int = 0) -> dict:
    key = jax.random.key(seed)
    k1, k2 = jax.random.split(key)
    x = jax.random.randint(k1, (4096, 200), 0, VOCAB, dtype=jnp.int64)
    table = jax.random.normal(k2, (VOCAB, D_MODEL), dtype=jnp.float32)
    return {"x": x, "table": table}

def reference(x, table):
    # Embeddings.forward: embedding lookup scaled by sqrt(d_model)
    emb = jnp.take(table, x, axis=0)
    return emb * math.sqrt(D_MODEL)

if __name__ == "__main__":
    import jax
    _d = setup_inputs()
    print(jax.jit(kernel)(*tuple(_d.values())))

</pallas_src>

<mosaic_0001>
#map = affine_map<(d0, d1) -> (0)>
#map1 = affine_map<(d0, d1) -> (0, 0)>
module attributes {stable_mosaic.version = 14 : i64} {
  func.func @gather_scale(%arg0: i32, %arg1: i32, %arg2: memref<819200xi32, #tpu.memory_space<hbm>>, %arg3: memref<1000000x64xf32, #tpu.memory_space<hbm>>, %arg4: memref<819200x64xf32, #tpu.memory_space<hbm>>, %arg5: memref<25600xi32, #tpu.memory_space<vmem>>, %arg6: memref<256x64xf32, #tpu.memory_space<vmem>>, %arg7: memref<256x64xf32, #tpu.memory_space<vmem>>, %arg8: memref<256x64xf32, #tpu.memory_space<vmem>>, %arg9: memref<256x64xf32, #tpu.memory_space<vmem>>, %arg10: memref<!tpu.dma_semaphore, #tpu.memory_space<semaphore_mem>>, %arg11: memref<!tpu.dma_semaphore, #tpu.memory_space<semaphore_mem>>, %arg12: memref<!tpu.dma_semaphore, #tpu.memory_space<semaphore_mem>>, %arg13: memref<!tpu.dma_semaphore, #tpu.memory_space<semaphore_mem>>, %arg14: memref<!tpu.dma_semaphore, #tpu.memory_space<semaphore_mem>>, %arg15: memref<!tpu.dma_semaphore, #tpu.memory_space<semaphore_mem>>, %arg16: memref<!tpu.dma_semaphore, #tpu.memory_space<semaphore_mem>>, %arg17: memref<!tpu.dma_semaphore, #tpu.memory_space<semaphore_mem>>) attributes {dimension_semantics = [#tpu.dimension_semantics<core_parallel>, #tpu.dimension_semantics<subcore_parallel>], iteration_bounds = array<i64: 2, 16>, scalar_prefetch = 0 : i64, scratch_operands = 13 : i64, tpu.core_type = #tpu.core_type<sc_vector_subcore>, window_params = [{transform_indices = #map}, {transform_indices = #map1}, {transform_indices = #map1}]} {
    %mul3A = arith.constant 2 : i32
    %mul3A_0 = arith.muli %arg1, %mul3A : i32
    %add3A = arith.addi %mul3A_0, %arg0 : i32
    %mul3A_1 = arith.constant 25600 : i32
    %mul3A_2 = arith.muli %add3A, %mul3A_1 : i32
    "tpu.region"() ({
      %run_scoped3A = tpu.sem_alloc : memref<!tpu.dma_semaphore, #tpu.memory_space<semaphore_mem>>
      %dma_start3A_40 = tpu.memref_slice %arg2[%mul3A_2] : memref<819200xi32, #tpu.memory_space<hbm>> -> memref<25600xi32, #tpu.memory_space<hbm>>
      %dma_start3A_41 = tpu.memref_slice %arg2[%mul3A_2] : memref<819200xi32, #tpu.memory_space<hbm>> -> memref<25600xi32, #tpu.memory_space<hbm>>
      tpu.enqueue_dma source(%dma_start3A_41 : memref<25600xi32, #tpu.memory_space<hbm>>) target(%arg5 : memref<25600xi32, #tpu.memory_space<vmem>>) target_semaphore(%run_scoped3A : memref<!tpu.dma_semaphore, #tpu.memory_space<semaphore_mem>>)
      %dma_wait3A_42 = tpu.memref_slice %arg2[%mul3A_2] : memref<819200xi32, #tpu.memory_space<hbm>> -> memref<25600xi32, #tpu.memory_space<hbm>>
      %dma_wait3A_43 = tpu.memref_slice %arg2[%mul3A_2] : memref<819200xi32, #tpu.memory_space<hbm>> -> memref<25600xi32, #tpu.memory_space<hbm>>
      tpu.wait_dma2 semaphore(%run_scoped3A : memref<!tpu.dma_semaphore, #tpu.memory_space<semaphore_mem>>) src(%dma_wait3A_43 : memref<25600xi32, #tpu.memory_space<hbm>>) dst(%arg5 : memref<25600xi32, #tpu.memory_space<vmem>>)
      tpu.yield
    }) : () -> ()
    %dma_start3A = arith.constant 0 : i32
    %dma_start3A_3 = tpu.memref_slice %arg5[%dma_start3A] : memref<25600xi32, #tpu.memory_space<vmem>> -> memref<256xi32, #tpu.memory_space<vmem>>
    %dma_start3A_4 = arith.constant 0 : i32
    %dma_start3A_5 = arith.constant 0 : i32
    %dma_start3A_6 = tpu.memref_slice %arg3[%dma_start3A_4, %dma_start3A_5] : memref<1000000x64xf32, #tpu.memory_space<hbm>> -> memref<1000000x64xf32, #tpu.memory_space<hbm>>
    tpu.enqueue_indirect_dma source(%dma_start3A_6 : memref<1000000x64xf32, #tpu.memory_space<hbm>>) target(%arg6 : memref<256x64xf32, #tpu.memory_space<vmem>>) offsets(%dma_start3A_3 : memref<256xi32, #tpu.memory_space<vmem>>) semaphore(%arg10 : memref<!tpu.dma_semaphore, #tpu.memory_space<semaphore_mem>>)
    %dma_start3A_7 = arith.constant 256 : i32
    %dma_start3A_8 = tpu.memref_slice %arg5[%dma_start3A_7] : memref<25600xi32, #tpu.memory_space<vmem>> -> memref<256xi32, #tpu.memory_space<vmem>>
    %dma_start3A_9 = arith.constant 0 : i32
    %dma_start3A_10 = arith.constant 0 : i32
    %dma_start3A_11 = tpu.memref_slice %arg3[%dma_start3A_9, %dma_start3A_10] : memref<1000000x64xf32, #tpu.memory_space<hbm>> -> memref<1000000x64xf32, #tpu.memory_space<hbm>>
    tpu.enqueue_indirect_dma source(%dma_start3A_11 : memref<1000000x64xf32, #tpu.memory_space<hbm>>) target(%arg7 : memref<256x64xf32, #tpu.memory_space<vmem>>) offsets(%dma_start3A_8 : memref<256xi32, #tpu.memory_space<vmem>>) semaphore(%arg11 : memref<!tpu.dma_semaphore, #tpu.memory_space<semaphore_mem>>)
    %scan3A = arith.constant 0 : i32
    %scan3A_12 = arith.constant 0 : i32
    %scan3A_13 = arith.constant 25 : i32
    %scan3A_14 = arith.addi %scan3A_12, %scan3A_13 : i32
    %scan3A_15 = arith.constant 1 : i32
    scf.for %scan3A_40 = %scan3A_12 to %scan3A_14 step %scan3A_15  : i32 {
      %mul3A_41 = arith.constant 4 : i32
      %mul3A_42 = arith.muli %scan3A_40, %mul3A_41 : i32
      %add3A_43 = arith.constant 0 : i32
      %add3A_44 = arith.addi %mul3A_42, %add3A_43 : i32
      %add3A_45 = arith.constant 2 : i32
      %add3A_46 = arith.addi %add3A_44, %add3A_45 : i32
      %lt3A = arith.constant 100 : i32
      %lt3A_47 = arith.cmpi slt, %add3A_46, %lt3A : i32
      %ge3A = arith.constant 4 : i32
      %ge3A_48 = arith.cmpi sge, %add3A_46, %ge3A : i32
      %and3A = arith.andi %lt3A_47, %ge3A_48 : i1
      %convert_element_type3A = arith.extui %and3A : i1 to i32
      %cond3A = arith.constant 0 : i32
      %cond3A_49 = arith.cmpi ne, %convert_element_type3A, %cond3A : i32
      scf.if %cond3A_49 {
        %sub3A = arith.constant 4 : i32
        %sub3A_182 = arith.subi %add3A_46, %sub3A : i32
        %mul3A_183 = arith.constant 256 : i32
        %mul3A_184 = arith.muli %sub3A_182, %mul3A_183 : i32
        %add3A_185 = arith.addi %mul3A_2, %mul3A_184 : i32
        %dma_wait3A_186 = arith.constant 0 : i32
        %dma_wait3A_187 = tpu.memref_slice %arg4[%add3A_185, %dma_wait3A_186] : memref<819200x64xf32, #tpu.memory_space<hbm>> -> memref<256x64xf32, #tpu.memory_space<hbm>>
        %dma_wait3A_188 = arith.constant 0 : i32
        %dma_wait3A_189 = tpu.memref_slice %arg4[%add3A_185, %dma_wait3A_188] : memref<819200x64xf32, #tpu.memory_space<hbm>> -> memref<256x64xf32, #tpu.memory_space<hbm>>
        tpu.wait_dma2 semaphore(%arg16 : memref<!tpu.dma_semaphore, #tpu.memory_space<semaphore_mem>>) src(%arg8 : memref<256x64xf32, #tpu.memory_space<vmem>>) dst(%dma_wait3A_189 : memref<256x64xf32, #tpu.memory_space<hbm>>)
      } else {
      }
      %lt3A_50 = arith.constant 100 : i32
      %lt3A_51 = arith.cmpi slt, %add3A_46, %lt3A_50 : i32
      %convert_element_type3A_52 = arith.extui %lt3A_51 : i1 to i32
      %cond3A_53 = arith.constant 0 : i32
      %cond3A_54 = arith.cmpi ne, %convert_element_type3A_52, %cond3A_53 : i32
      scf.if %cond3A_54 {
        %mul3A_182 = arith.constant 256 : i32
        %mul3A_183 = arith.muli %add3A_46, %mul3A_182 : i32
        %dma_start3A_184 = tpu.memref_slice %arg5[%mul3A_183] : memref<25600xi32, #tpu.memory_space<vmem>> -> memref<256xi32, #tpu.memory_space<vmem>>
        %dma_start3A_185 = arith.constant 0 : i32
        %dma_start3A_186 = arith.constant 0 : i32
        %dma_start3A_187 = tpu.memref_slice %arg3[%dma_start3A_185, %dma_start3A_186] : memref<1000000x64xf32, #tpu.memory_space<hbm>> -> memref<1000000x64xf32, #tpu.memory_space<hbm>>
        tpu.enqueue_indirect_dma source(%dma_start3A_187 : memref<1000000x64xf32, #tpu.memory_space<hbm>>) target(%arg8 : memref<256x64xf32, #tpu.memory_space<vmem>>) offsets(%dma_start3A_184 : memref<256xi32, #tpu.memory_space<vmem>>) semaphore(%arg12 : memref<!tpu.dma_semaphore, #tpu.memory_space<semaphore_mem>>)
      } else {
      }
      %mul3A_55 = arith.constant 256 : i32
      %mul3A_56 = arith.muli %add3A_44, %mul3A_55 : i32
      %dma_wait3A_57 = tpu.memref_slice %arg5[%mul3A_56] : memref<25600xi32, #tpu.memory_space<vmem>> -> memref<256xi32, #tpu.memory_space<vmem>>
      %dma_wait3A_58 = arith.constant 0 : i32
      %dma_wait3A_59 = arith.constant 0 : i32
      %dma_wait3A_60 = tpu.memref_slice %arg3[%dma_wait3A_58, %dma_wait3A_59] : memref<1000000x64xf32, #tpu.memory_space<hbm>> -> memref<1000000x64xf32, #tpu.memory_space<hbm>>
      tpu.wait_indirect_dma semaphore(%arg10 : memref<!tpu.dma_semaphore, #tpu.memory_space<semaphore_mem>>) src(%dma_wait3A_60 : memref<1000000x64xf32, #tpu.memory_space<hbm>>) dst(%arg6 : memref<256x64xf32, #tpu.memory_space<vmem>>)
      %scan3A_61 = arith.constant 0 : i32
      %scan3A_62 = arith.constant 0 : i32
      %scan3A_63 = arith.constant 256 : i32
      %scan3A_64 = arith.addi %scan3A_62, %scan3A_63 : i32
      %scan3A_65 = arith.constant 8 : i32
      scf.for %scan3A_182 = %scan3A_62 to %scan3A_64 step %scan3A_65  : i32 {
        %get3A = arith.index_cast %scan3A_182 : i32 to index
        %get3A_183 = arith.constant 0 : index
        %get3A_184 = tpu.vector_load %arg6[%get3A, %get3A_183] {strides = array<i32>} : memref<256x64xf32, #tpu.memory_space<vmem>>, vector<16xf32>,
        %mul3A_185 = arith.constant 8.000000e+00 : f32
        %mul3A_186 = vector.broadcast %mul3A_185 : f32 to vector<16xf32>
        %mul3A_187 = arith.mulf %get3A_184, %mul3A_186 : vector<16xf32>
        %swap3A = arith.index_cast %scan3A_182 : i32 to index
        %swap3A_188 = arith.constant 0 : index
        %swap3A_189 = tpu.vector_load %arg6[%swap3A, %swap3A_188] {strides = array<i32>} : memref<256x64xf32, #tpu.memory_space<vmem>>, vector<16xf32>,
        tpu.vector_store %arg6[%swap3A, %swap3A_188], %mul3A_187 {strides = array<i32>} : memref<256x64xf32, #tpu.memory_space<vmem>>, vector<16xf32>,
        %get3A_190 = arith.index_cast %scan3A_182 : i32 to index
        %get3A_191 = arith.constant 16 : index
        %get3A_192 = tpu.vector_load %arg6[%get3A_190, %get3A_191] {strides = array<i32>} : memref<256x64xf32, #tpu.memory_space<vmem>>, vector<16xf32>,
        %mul3A_193 = arith.constant 8.000000e+00 : f32
        %mul3A_194 = vector.broadcast %mul3A_193 : f32 to vector<16xf32>
        %mul3A_195 = arith.mulf %get3A_192, %mul3A_194 : vector<16xf32>
        %swap3A_196 = arith.index_cast %scan3A_182 : i32 to index
        %swap3A_197 = arith.constant 16 : index
        %swap3A_198 = tpu.vector_load %arg6[%swap3A_196, %swap3A_197] {strides = array<i32>} : memref<256x64xf32, #tpu.memory_space<vmem>>, vector<16xf32>,
        tpu.vector_store %arg6[%swap3A_196, %swap3A_197], %mul3A_195 {strides = array<i32>} : memref<256x64xf32, #tpu.memory_space<vmem>>, vector<16xf32>,
        %get3A_199 = arith.index_cast %scan3A_182 : i32 to index
        %get3A_200 = arith.constant 32 : index
        %get3A_201 = tpu.vector_load %arg6[%get3A_199, %get3A_200] {strides = array<i32>} : memref<256x64xf32, #tpu.memory_space<vmem>>, vector<16xf32>,
        %mul3A_202 = arith.constant 8.000000e+00 : f32
        %mul3A_203 = vector.broadcast %mul3A_202 : f32 to vector<16xf32>
        %mul3A_204 = arith.mulf %get3A_201, %mul3A_203 : vector<16xf32>
        %swap3A_205 = arith.index_cast %scan3A_182 : i32 to index
        %swap3A_206 = arith.constant 32 : index
        %swap3A_207 = tpu.vector_load %arg6[%swap3A_205, %swap3A_206] {strides = array<i32>} : memref<256x64xf32, #tpu.memory_space<vmem>>, vector<16xf32>,
        tpu.vector_store %arg6[%swap3A_205, %swap3A_206], %mul3A_204 {strides = array<i32>} : memref<256x64xf32, #tpu.memory_space<vmem>>, vector<16xf32>,
        %get3A_208 = arith.index_cast %scan3A_182 : i32 to index
        %get3A_209 = arith.constant 48 : index
        %get3A_210 = tpu.vector_load %arg6[%get3A_208, %get3A_209] {strides = array<i32>} : memref<256x64xf32, #tpu.memory_space<vmem>>, vector<16xf32>,
        %mul3A_211 = arith.constant 8.000000e+00 : f32
        %mul3A_212 = vector.broadcast %mul3A_211 : f32 to vector<16xf32>
        %mul3A_213 = arith.mulf %get3A_210, %mul3A_212 : vector<16xf32>
        %swap3A_214 = arith.index_cast %scan3A_182 : i32 to index
        %swap3A_215 = arith.constant 48 : index
        %swap3A_216 = tpu.vector_load %arg6[%swap3A_214, %swap3A_215] {strides = array<i32>} : memref<256x64xf32, #tpu.memory_space<vmem>>, vector<16xf32>,
        tpu.vector_store %arg6[%swap3A_214, %swap3A_215], %mul3A_213 {strides = array<i32>} : memref<256x64xf32, #tpu.memory_space<vmem>>, vector<16xf32>,
        %scan3A_217 = arith.constant 1 : i32
        %scan3A_218 = arith.addi %scan3A_182, %scan3A_217 : i32
        %get3A_219 = arith.index_cast %scan3A_218 : i32 to index
        %get3A_220 = arith.constant 0 : index
        %get3A_221 = tpu.vector_load %arg6[%get3A_219, %get3A_220] {strides = array<i32>} : memref<256x64xf32, #tpu.memory_space<vmem>>, vector<16xf32>,
        %mul3A_222 = arith.constant 8.000000e+00 : f32
        %mul3A_223 = vector.broadcast %mul3A_222 : f32 to vector<16xf32>
        %mul3A_224 = arith.mulf %get3A_221, %mul3A_223 : vector<16xf32>
        %swap3A_225 = arith.index_cast %scan3A_218 : i32 to index
        %swap3A_226 = arith.constant 0 : index
        %swap3A_227 = tpu.vector_load %arg6[%swap3A_225, %swap3A_226] {strides = array<i32>} : memref<256x64xf32, #tpu.memory_space<vmem>>, vector<16xf32>,
        tpu.vector_store %arg6[%swap3A_225, %swap3A_226], %mul3A_224 {strides = array<i32>} : memref<256x64xf32, #tpu.memory_space<vmem>>, vector<16xf32>,
        %get3A_228 = arith.index_cast %scan3A_218 : i32 to index
        %get3A_229 = arith.constant 16 : index
        %get3A_230 = tpu.vector_load %arg6[%get3A_228, %get3A_229] {strides = array<i32>} : memref<256x64xf32, #tpu.memory_space<vmem>>, vector<16xf32>,
        %mul3A_231 = arith.constant 8.000000e+00 : f32
        %mul3A_232 = vector.broadcast %mul3A_231 : f32 to vector<16xf32>
        %mul3A_233 = arith.mulf %get3A_230, %mul3A_232 : vector<16xf32>
        %swap3A_234 = arith.index_cast %scan3A_218 : i32 to index
        %swap3A_235 = arith.constant 16 : index
        %swap3A_236 = tpu.vector_load %arg6[%swap3A_234, %swap3A_235] {strides = array<i32>} : memref<256x64xf32, #tpu.memory_space<vmem>>, vector<16xf32>,
        tpu.vector_store %arg6[%swap3A_234, %swap3A_235], %mul3A_233 {strides = array<i32>} : memref<256x64xf32, #tpu.memory_space<vmem>>, vector<16xf32>,
        %get3A_237 = arith.index_cast %scan3A_218 : i32 to index
        %get3A_238 = arith.constant 32 : index
        %get3A_239 = tpu.vector_load %arg6[%get3A_237, %get3A_238] {strides = array<i32>} : memref<256x64xf32, #tpu.memory_space<vmem>>, vector<16xf32>,
        %mul3A_240 = arith.constant 8.000000e+00 : f32
        %mul3A_241 = vector.broadcast %mul3A_240 : f32 to vector<16xf32>
        %mul3A_242 = arith.mulf %get3A_239, %mul3A_241 : vector<16xf32>
        %swap3A_243 = arith.index_cast %scan3A_218 : i32 to index
        %swap3A_244 = arith.constant 32 : index
        %swap3A_245 = tpu.vector_load %arg6[%swap3A_243, %swap3A_244] {strides = array<i32>} : memref<256x64xf32, #tpu.memory_space<vmem>>, vector<16xf32>,
        tpu.vector_store %arg6[%swap3A_243, %swap3A_244], %mul3A_242 {strides = array<i32>} : memref<256x64xf32, #tpu.memory_space<vmem>>, vector<16xf32>,
        %get3A_246 = arith.index_cast %scan3A_218 : i32 to index
        %get3A_247 = arith.constant 48 : index
        %get3A_248 = tpu.vector_load %arg6[%get3A_246, %get3A_247] {strides = array<i32>} : memref<256x64xf32, #tpu.memory_space<vmem>>, vector<16xf32>,
        %mul3A_249 = arith.constant 8.000000e+00 : f32
        %mul3A_250 = vector.broadcast %mul3A_249 : f32 to vector<16xf32>
        %mul3A_251 = arith.mulf %get3A_248, %mul3A_250 : vector<16xf32>
        %swap3A_252 = arith.index_cast %scan3A_218 : i32 to index
        %swap3A_253 = arith.constant 48 : index
        %swap3A_254 = tpu.vector_load %arg6[%swap3A_252, %swap3A_253] {strides = array<i32>} : memref<256x64xf32, #tpu.memory_space<vmem>>, vector<16xf32>,
        tpu.vector_store %arg6[%swap3A_252, %swap3A_253], %mul3A_251 {strides = array<i32>} : memref<256x64xf32, #tpu.memory_space<vmem>>, vector<16xf32>,
        %scan3A_255 = arith.constant 2 : i32
        %scan3A_256 = arith.addi %scan3A_182, %scan3A_255 : i32
        %get3A_257 = arith.index_cast %scan3A_256 : i32 to index
        %get3A_258 = arith.constant 0 : index
        %get3A_259 = tpu.vector_load %arg6[%get3A_257, %get3A_258] {strides = array<i32>} : memref<256x64xf32, #tpu.memory_space<vmem>>, vector<16xf32>,
        %mul3A_260 = arith.constant 8.000000e+00 : f32
        %mul3A_261 = vector.broadcast %mul3A_260 : f32 to vector<16xf32>
        %mul3A_262 = arith.mulf %get3A_259, %mul3A_261 : vector<16xf32>
        %swap3A_263 = arith.index_cast %scan3A_256 : i32 to index
        %swap3A_264 = arith.constant 0 : index
        %swap3A_265 = tpu.vector_load %arg6[%swap3A_263, %swap3A_264] {strides = array<i32>} : memref<256x64xf32, #tpu.memory_space<vmem>>, vector<16xf32>,
        tpu.vector_store %arg6[%swap3A_263, %swap3A_264], %mul3A_262 {strides = array<i32>} : memref<256x64xf32, #tpu.memory_space<vmem>>, vector<16xf32>,
        %get3A_266 = arith.index_cast %scan3A_256 : i32 to index
        %get3A_267 = arith.constant 16 : index
        %get3A_268 = tpu.vector_load %arg6[%get3A_266, %get3A_267] {strides = array<i32>} : memref<256x64xf32, #tpu.memory_space<vmem>>, vector<16xf32>,
        %mul3A_269 = arith.constant 8.000000e+00 : f32
        %mul3A_270 = vector.broadcast %mul3A_269 : f32 to vector<16xf32>
        %mul3A_271 = arith.mulf %get3A_268, %mul3A_270 : vector<16xf32>
        %swap3A_272 = arith.index_cast %scan3A_256 : i32 to index
        %swap3A_273 = arith.constant 16 : index
        %swap3A_274 = tpu.vector_load %arg6[%swap3A_272, %swap3A_273] {strides = array<i32>} : memref<256x64xf32, #tpu.memory_space<vmem>>, vector<16xf32>,
        tpu.vector_store %arg6[%swap3A_272, %swap3A_273], %mul3A_271 {strides = array<i32>} : memref<256x64xf32, #tpu.memory_space<vmem>>, vector<16xf32>,
        %get3A_275 = arith.index_cast %scan3A_256 : i32 to index
        %get3A_276 = arith.constant 32 : index
        %get3A_277 = tpu.vector_load %arg6[%get3A_275, %get3A_276] {strides = array<i32>} : memref<256x64xf32, #tpu.memory_space<vmem>>, vector<16xf32>,
        %mul3A_278 = arith.constant 8.000000e+00 : f32
        %mul3A_279 = vector.broadcast %mul3A_278 : f32 to vector<16xf32>
        %mul3A_280 = arith.mulf %get3A_277, %mul3A_279 : vector<16xf32>
        %swap3A_281 = arith.index_cast %scan3A_256 : i32 to index
        %swap3A_282 = arith.constant 32 : index
        %swap3A_283 = tpu.vector_load %arg6[%swap3A_281, %swap3A_282] {strides = array<i32>} : memref<256x64xf32, #tpu.memory_space<vmem>>, vector<16xf32>,
        tpu.vector_store %arg6[%swap3A_281, %swap3A_282], %mul3A_280 {strides = array<i32>} : memref<256x64xf32, #tpu.memory_space<vmem>>, vector<16xf32>,
        %get3A_284 = arith.index_cast %scan3A_256 : i32 to index
        %get3A_285 = arith.constant 48 : index
        %get3A_286 = tpu.vector_load %arg6[%get3A_284, %get3A_285] {strides = array<i32>} : memref<256x64xf32, #tpu.memory_space<vmem>>, vector<16xf32>,
        %mul3A_287 = arith.constant 8.000000e+00 : f32
        %mul3A_288 = vector.broadcast %mul3A_287 : f32 to vector<16xf32>
        %mul3A_289 = arith.mulf %get3A_286, %mul3A_288 : vector<16xf32>
        %swap3A_290 = arith.index_cast %scan3A_256 : i32 to index
        %swap3A_291 = arith.constant 48 : index
        %swap3A_292 = tpu.vector_load %arg6[%swap3A_290, %swap3A_291] {strides = array<i32>} : memref<256x64xf32, #tpu.memory_space<vmem>>, vector<16xf32>,
        tpu.vector_store %arg6[%swap3A_290, %swap3A_291], %mul3A_289 {strides = array<i32>} : memref<256x64xf32, #tpu.memory_space<vmem>>, vector<16xf32>,
        %scan3A_293 = arith.constant 3 : i32
        %scan3A_294 = arith.addi %scan3A_182, %scan3A_293 : i32
        %get3A_295 = arith.index_cast %scan3A_294 : i32 to index
        %get3A_296 = arith.constant 0 : index
        %get3A_297 = tpu.vector_load %arg6[%get3A_295, %get3A_296] {strides = array<i32>} : memref<256x64xf32, #tpu.memory_space<vmem>>, vector<16xf32>,
        %mul3A_298 = arith.constant 8.000000e+00 : f32
        %mul3A_299 = vector.broadcast %mul3A_298 : f32 to vector<16xf32>
        %mul3A_300 = arith.mulf %get3A_297, %mul3A_299 : vector<16xf32>
        %swap3A_301 = arith.index_cast %scan3A_294 : i32 to index
        %swap3A_302 = arith.constant 0 : index
        %swap3A_303 = tpu.vector_load %arg6[%swap3A_301, %swap3A_302] {strides = array<i32>} : memref<256x64xf32, #tpu.memory_space<vmem>>, vector<16xf32>,
        tpu.vector_store %arg6[%swap3A_301, %swap3A_302], %mul3A_300 {strides = array<i32>} : memref<256x64xf32, #tpu.memory_space<vmem>>, vector<16xf32>,
        %get3A_304 = arith.index_cast %scan3A_294 : i32 to index
        %get3A_305 = arith.constant 16 : index
        %get3A_306 = tpu.vector_load %arg6[%get3A_304, %get3A_305] {strides = array<i32>} : memref<256x64xf32, #tpu.memory_space<vmem>>, vector<16xf32>,
        %mul3A_307 = arith.constant 8.000000e+00 : f32
        %mul3A_308 = vector.broadcast %mul3A_307 : f32 to vector<16xf32>
        %mul3A_309 = arith.mulf %get3A_306, %mul3A_308 : vector<16xf32>
        %swap3A_310 = arith.index_cast %scan3A_294 : i32 to index
        %swap3A_311 = arith.constant 16 : index
        %swap3A_312 = tpu.vector_load %arg6[%swap3A_310, %swap3A_311] {strides = array<i32>} : memref<256x64xf32, #tpu.memory_space<vmem>>, vector<16xf32>,
        tpu.vector_store %arg6[%swap3A_310, %swap3A_311], %mul3A_309 {strides = array<i32>} : memref<256x64xf32, #tpu.memory_space<vmem>>, vector<16xf32>,
        %get3A_313 = arith.index_cast %scan3A_294 : i32 to index
        %get3A_314 = arith.constant 32 : index
        %get3A_315 = tpu.vector_load %arg6[%get3A_313, %get3A_314] {strides = array<i32>} : memref<256x64xf32, #tpu.memory_space<vmem>>, vector<16xf32>,
        %mul3A_316 = arith.constant 8.000000e+00 : f32
        %mul3A_317 = vector.broadcast %mul3A_316 : f32 to vector<16xf32>
        %mul3A_318 = arith.mulf %get3A_315, %mul3A_317 : vector<16xf32>
        %swap3A_319 = arith.index_cast %scan3A_294 : i32 to index
        %swap3A_320 = arith.constant 32 : index
        %swap3A_321 = tpu.vector_load %arg6[%swap3A_319, %swap3A_320] {strides = array<i32>} : memref<256x64xf32, #tpu.memory_space<vmem>>, vector<16xf32>,
        tpu.vector_store %arg6[%swap3A_319, %swap3A_320], %mul3A_318 {strides = array<i32>} : memref<256x64xf32, #tpu.memory_space<vmem>>, vector<16xf32>,
        %get3A_322 = arith.index_cast %scan3A_294 : i32 to index
        %get3A_323 = arith.constant 48 : index
        %get3A_324 = tpu.vector_load %arg6[%get3A_322, %get3A_323] {strides = array<i32>} : memref<256x64xf32, #tpu.memory_space<vmem>>, vector<16xf32>,
        %mul3A_325 = arith.constant 8.000000e+00 : f32
        %mul3A_326 = vector.broadcast %mul3A_325 : f32 to vector<16xf32>
        %mul3A_327 = arith.mulf %get3A_324, %mul3A_326 : vector<16xf32>
        %swap3A_328 = arith.index_cast %scan3A_294 : i32 to index
        %swap3A_329 = arith.constant 48 : index
        %swap3A_330 = tpu.vector_load %arg6[%swap3A_328, %swap3A_329] {strides = array<i32>} : memref<256x64xf32, #tpu.memory_space<vmem>>, vector<16xf32>,
        tpu.vector_store %arg6[%swap3A_328, %swap3A_329], %mul3A_327 {strides = array<i32>} : memref<256x64xf32, #tpu.memory_space<vmem>>, vector<16xf32>,
        %scan3A_331 = arith.constant 4 : i32
        %scan3A_332 = arith.addi %scan3A_182, %scan3A_331 : i32
        %get3A_333 = arith.index_cast %scan3A_332 : i32 to index
        %get3A_334 = arith.constant 0 : index
        %get3A_335 = tpu.vector_load %arg6[%get3A_333, %get3A_334] {strides = array<i32>} : memref<256x64xf32, #tpu.memory_space<vmem>>, vector<16xf32>,
        %mul3A_336 = arith.constant 8.000000e+00 : f32
        %mul3A_337 = vector.broadcast %mul3A_336 : f32 to vector<16xf32>
        %mul3A_338 = arith.mulf %get3A_335, %mul3A_337 : vector<16xf32>
        %swap3A_339 = arith.index_cast %scan3A_332 : i32 to index
        %swap3A_340 = arith.constant 0 : index
        %swap3A_341 = tpu.vector_load %arg6[%swap3A_339, %swap3A_340] {strides = array<i32>} : memref<256x64xf32, #tpu.memory_space<vmem>>, vector<16xf32>,
        tpu.vector_store %arg6[%swap3A_339, %swap3A_340], %mul3A_338 {strides = array<i32>} : memref<256x64xf32, #tpu.memory_space<vmem>>, vector<16xf32>,
        %get3A_342 = arith.index_cast %scan3A_332 : i32 to index
        %get3A_343 = arith.constant 16 : index
        %get3A_344 = tpu.vector_load %arg6[%get3A_342, %get3A_343] {strides = array<i32>} : memref<256x64xf32, #tpu.memory_space<vmem>>, vector<16xf32>,
        %mul3A_345 = arith.constant 8.000000e+00 : f32
        %mul3A_346 = vector.broadcast %mul3A_345 : f32 to vector<16xf32>
        %mul3A_347 = arith.mulf %get3A_344, %mul3A_346 : vector<16xf32>
        %swap3A_348 = arith.index_cast %scan3A_332 : i32 to index
        %swap3A_349 = arith.constant 16 : index
        %swap3A_350 = tpu.vector_load %arg6[%swap3A_348, %swap3A_349] {strides = array<i32>} : memref<256x64xf32, #tpu.memory_space<vmem>>, vector<16xf32>,
        tpu.vector_store %arg6[%swap3A_348, %swap3A_349], %mul3A_347 {strides = array<i32>} : memref<256x64xf32, #tpu.memory_space<vmem>>, vector<16xf32>,
        %get3A_351 = arith.index_cast %scan3A_332 : i32 to index
        %get3A_352 = arith.constant 32 : index
        %get3A_353 = tpu.vector_load %arg6[%get3A_351, %get3A_352] {strides = array<i32>} : memref<256x64xf32, #tpu.memory_space<vmem>>, vector<16xf32>,
        %mul3A_354 = arith.constant 8.000000e+00 : f32
        %mul3A_355 = vector.broadcast %mul3A_354 : f32 to vector<16xf32>
        %mul3A_356 = arith.mulf %get3A_353, %mul3A_355 : vector<16xf32>
        %swap3A_357 = arith.index_cast %scan3A_332 : i32 to index
        %swap3A_358 = arith.constant 32 : index
        %swap3A_359 = tpu.vector_load %arg6[%swap3A_357, %swap3A_358] {strides = array<i32>} : memref<256x64xf32, #tpu.memory_space<vmem>>, vector<16xf32>,
        tpu.vector_store %arg6[%swap3A_357, %swap3A_358], %mul3A_356 {strides = array<i32>} : memref<256x64xf32, #tpu.memory_space<vmem>>, vector<16xf32>,
        %get3A_360 = arith.index_cast %scan3A_332 : i32 to index
        %get3A_361 = arith.constant 48 : index
        %get3A_362 = tpu.vector_load %arg6[%get3A_360, %get3A_361] {strides = array<i32>} : memref<256x64xf32, #tpu.memory_space<vmem>>, vector<16xf32>,
        %mul3A_363 = arith.constant 8.000000e+00 : f32
        %mul3A_364 = vector.broadcast %mul3A_363 : f32 to vector<16xf32>
        %mul3A_365 = arith.mulf %get3A_362, %mul3A_364 : vector<16xf32>
        %swap3A_366 = arith.index_cast %scan3A_332 : i32 to index
        %swap3A_367 = arith.constant 48 : index
        %swap3A_368 = tpu.vector_load %arg6[%swap3A_366, %swap3A_367] {strides = array<i32>} : memref<256x64xf32, #tpu.memory_space<vmem>>, vector<16xf32>,
        tpu.vector_store %arg6[%swap3A_366, %swap3A_367], %mul3A_365 {strides = array<i32>} : memref<256x64xf32, #tpu.memory_space<vmem>>, vector<16xf32>,
        %scan3A_369 = arith.constant 5 : i32
        %scan3A_370 = arith.addi %scan3A_182, %scan3A_369 : i32
        %get3A_371 = arith.index_cast %scan3A_370 : i32 to index
        %get3A_372 = arith.constant 0 : index
        %get3A_373 = tpu.vector_load %arg6[%get3A_371, %get3A_372] {strides = array<i32>} : memref<256x64xf32, #tpu.memory_space<vmem>>, vector<16xf32>,
        %mul3A_374 = arith.constant 8.000000e+00 : f32
        %mul3A_375 = vector.broadcast %mul3A_374 : f32 to vector<16xf32>
        %mul3A_376 = arith.mulf %get3A_373, %mul3A_375 : vector<16xf32>
        %swap3A_377 = arith.index_cast %scan3A_370 : i32 to index
        %swap3A_378 = arith.constant 0 : index
        %swap3A_379 = tpu.vector_load %arg6[%swap3A_377, %swap3A_378] {strides = array<i32>} : memref<256x64xf32, #tpu.memory_space<vmem>>, vector<16xf32>,
        tpu.vector_store %arg6[%swap3A_377, %swap3A_378], %mul3A_376 {strides = array<i32>} : memref<256x64xf32, #tpu.memory_space<vmem>>, vector<16xf32>,
        %get3A_380 = arith.index_cast %scan3A_370 : i32 to index
        %get3A_381 = arith.constant 16 : index
        %get3A_382 = tpu.vector_load %arg6[%get3A_380, %get3A_381] {strides = array<i32>} : memref<256x64xf32, #tpu.memory_space<vmem>>, vector<16xf32>,
        %mul3A_383 = arith.constant 8.000000e+00 : f32
        %mul3A_384 = vector.broadcast %mul3A_383 : f32 to vector<16xf32>
        %mul3A_385 = arith.mulf %get3A_382, %mul3A_384 : vector<16xf32>
        %swap3A_386 = arith.index_cast %scan3A_370 : i32 to index
        %swap3A_387 = arith.constant 16 : index
        %swap3A_388 = tpu.vector_load %arg6[%swap3A_386, %swap3A_387] {strides = array<i32>} : memref<256x64xf32, #tpu.memory_space<vmem>>, vector<16xf32>,
        tpu.vector_store %arg6[%swap3A_386, %swap3A_387], %mul3A_385 {strides = array<i32>} : memref<256x64xf32, #tpu.memory_space<vmem>>, vector<16xf32>,
        %get3A_389 = arith.index_cast %scan3A_370 : i32 to index
        %get3A_390 = arith.constant 32 : index
        %get3A_391 = tpu.vector_load %arg6[%get3A_389, %get3A_390] {strides = array<i32>} : memref<256x64xf32, #tpu.memory_space<vmem>>, vector<16xf32>,
        %mul3A_392 = arith.constant 8.000000e+00 : f32
        %mul3A_393 = vector.broadcast %mul3A_392 : f32 to vector<16xf32>
        %mul3A_394 = arith.mulf %get3A_391, %mul3A_393 : vector<16xf32>
        %swap3A_395 = arith.index_cast %scan3A_370 : i32 to index
        %swap3A_396 = arith.constant 32 : index
        %swap3A_397 = tpu.vector_load %arg6[%swap3A_395, %swap3A_396] {strides = array<i32>} : memref<256x64xf32, #tpu.memory_space<vmem>>, vector<16xf32>,
        tpu.vector_store %arg6[%swap3A_395, %swap3A_396], %mul3A_394 {strides = array<i32>} : memref<256x64xf32, #tpu.memory_space<vmem>>, vector<16xf32>,
        %get3A_398 = arith.index_cast %scan3A_370 : i32 to index
        %get3A_399 = arith.constant 48 : index
        %get3A_400 = tpu.vector_load %arg6[%get3A_398, %get3A_399] {strides = array<i32>} : memref<256x64xf32, #tpu.memory_space<vmem>>, vector<16xf32>,
        %mul3A_401 = arith.constant 8.000000e+00 : f32
        %mul3A_402 = vector.broadcast %mul3A_401 : f32 to vector<16xf32>
        %mul3A_403 = arith.mulf %get3A_400, %mul3A_402 : vector<16xf32>
        %swap3A_404 = arith.index_cast %scan3A_370 : i32 to index
        %swap3A_405 = arith.constant 48 : index
        %swap3A_406 = tpu.vector_load %arg6[%swap3A_404, %swap3A_405] {strides = array<i32>} : memref<256x64xf32, #tpu.memory_space<vmem>>, vector<16xf32>,
        tpu.vector_store %arg6[%swap3A_404, %swap3A_405], %mul3A_403 {strides = array<i32>} : memref<256x64xf32, #tpu.memory_space<vmem>>, vector<16xf32>,
        %scan3A_407 = arith.constant 6 : i32
        %scan3A_408 = arith.addi %scan3A_182, %scan3A_407 : i32
        %get3A_409 = arith.index_cast %scan3A_408 : i32 to index
        %get3A_410 = arith.constant 0 : index
        %get3A_411 = tpu.vector_load %arg6[%get3A_409, %get3A_410] {strides = array<i32>} : memref<256x64xf32, #tpu.memory_space<vmem>>, vector<16xf32>,
        %mul3A_412 = arith.constant 8.000000e+00 : f32
        %mul3A_413 = vector.broadcast %mul3A_412 : f32 to vector<16xf32>
        %mul3A_414 = arith.mulf %get3A_411, %mul3A_413 : vector<16xf32>
        %swap3A_415 = arith.index_cast %scan3A_408 : i32 to index
        %swap3A_416 = arith.constant 0 : index
        %swap3A_417 = tpu.vector_load %arg6[%swap3A_415, %swap3A_416] {strides = array<i32>} : memref<256x64xf32, #tpu.memory_space<vmem>>, vector<16xf32>,
        tpu.vector_store %arg6[%swap3A_415, %swap3A_416], %mul3A_414 {strides = array<i32>} : memref<256x64xf32, #tpu.memory_space<vmem>>, vector<16xf32>,
        %get3A_418 = arith.index_cast %scan3A_408 : i32 to index
        %get3A_419 = arith.constant 16 : index
        %get3A_420 = tpu.vector_load %arg6[%get3A_418, %get3A_419] {strides = array<i32>} : memref<256x64xf32, #tpu.memory_space<vmem>>, vector<16xf32>,
        %mul3A_421 = arith.constant 8.000000e+00 : f32
        %mul3A_422 = vector.broadcast %mul3A_421 : f32 to vector<16xf32>
        %mul3A_423 = arith.mulf %get3A_420, %mul3A_422 : vector<16xf32>
        %swap3A_424 = arith.index_cast %scan3A_408 : i32 to index
        %swap3A_425 = arith.constant 16 : index
        %swap3A_426 = tpu.vector_load %arg6[%swap3A_424, %swap3A_425] {strides = array<i32>} : memref<256x64xf32, #tpu.memory_space<vmem>>, vector<16xf32>,
        tpu.vector_store %arg6[%swap3A_424, %swap3A_425], %mul3A_423 {strides = array<i32>} : memref<256x64xf32, #tpu.memory_space<vmem>>, vector<16xf32>,
        %get3A_427 = arith.index_cast %scan3A_408 : i32 to index
        %get3A_428 = arith.constant 32 : index
        %get3A_429 = tpu.vector_load %arg6[%get3A_427, %get3A_428] {strides = array<i32>} : memref<256x64xf32, #tpu.memory_space<vmem>>, vector<16xf32>,
        %mul3A_430 = arith.constant 8.000000e+00 : f32
        %mul3A_431 = vector.broadcast %mul3A_430 : f32 to vector<16xf32>
        %mul3A_432 = arith.mulf %get3A_429, %mul3A_431 : vector<16xf32>
        %swap3A_433 = arith.index_cast %scan3A_408 : i32 to index
        %swap3A_434 = arith.constant 32 : index
        %swap3A_435 = tpu.vector_load %arg6[%swap3A_433, %swap3A_434] {strides = array<i32>} : memref<256x64xf32, #tpu.memory_space<vmem>>, vector<16xf32>,
        tpu.vector_store %arg6[%swap3A_433, %swap3A_434], %mul3A_432 {strides = array<i32>} : memref<256x64xf32, #tpu.memory_space<vmem>>, vector<16xf32>,
        %get3A_436 = arith.index_cast %scan3A_408 : i32 to index
        %get3A_437 = arith.constant 48 : index
        %get3A_438 = tpu.vector_load %arg6[%get3A_436, %get3A_437] {strides = array<i32>} : memref<256x64xf32, #tpu.memory_space<vmem>>, vector<16xf32>,
        %mul3A_439 = arith.constant 8.000000e+00 : f32
        %mul3A_440 = vector.broadcast %mul3A_439 : f32 to vector<16xf32>
        %mul3A_441 = arith.mulf %get3A_438, %mul3A_440 : vector<16xf32>
        %swap3A_442 = arith.index_cast %scan3A_408 : i32 to index
        %swap3A_443 = arith.constant 48 : index
        %swap3A_444 = tpu.vector_load %arg6[%swap3A_442, %swap3A_443] {strides = array<i32>} : memref<256x64xf32, #tpu.memory_space<vmem>>, vector<16xf32>,
        tpu.vector_store %arg6[%swap3A_442, %swap3A_443], %mul3A_441 {strides = array<i32>} : memref<256x64xf32, #tpu.memory_space<vmem>>, vector<16xf32>,
        %scan3A_445 = arith.constant 7 : i32
        %scan3A_446 = arith.addi %scan3A_182, %scan3A_445 : i32
        %get3A_447 = arith.index_cast %scan3A_446 : i32 to index
        %get3A_448 = arith.constant 0 : index
        %get3A_449 = tpu.vector_load %arg6[%get3A_447, %get3A_448] {strides = array<i32>} : memref<256x64xf32, #tpu.memory_space<vmem>>, vector<16xf32>,
        %mul3A_450 = arith.constant 8.000000e+00 : f32
        %mul3A_451 = vector.broadcast %mul3A_450 : f32 to vector<16xf32>
        %mul3A_452 = arith.mulf %get3A_449, %mul3A_451 : vector<16xf32>
        %swap3A_453 = arith.index_cast %scan3A_446 : i32 to index
        %swap3A_454 = arith.constant 0 : index
        %swap3A_455 = tpu.vector_load %arg6[%swap3A_453, %swap3A_454] {strides = array<i32>} : memref<256x64xf32, #tpu.memory_space<vmem>>, vector<16xf32>,
        tpu.vector_store %arg6[%swap3A_453, %swap3A_454], %mul3A_452 {strides = array<i32>} : memref<256x64xf32, #tpu.memory_space<vmem>>, vector<16xf32>,
        %get3A_456 = arith.index_cast %scan3A_446 : i32 to index
        %get3A_457 = arith.constant 16 : index
        %get3A_458 = tpu.vector_load %arg6[%get3A_456, %get3A_457] {strides = array<i32>} : memref<256x64xf32, #tpu.memory_space<vmem>>, vector<16xf32>,
        %mul3A_459 = arith.constant 8.000000e+00 : f32
        %mul3A_460 = vector.broadcast %mul3A_459 : f32 to vector<16xf32>
        %mul3A_461 = arith.mulf %get3A_458, %mul3A_460 : vector<16xf32>
        %swap3A_462 = arith.index_cast %scan3A_446 : i32 to index
        %swap3A_463 = arith.constant 16 : index
        %swap3A_464 = tpu.vector_load %arg6[%swap3A_462, %swap3A_463] {strides = array<i32>} : memref<256x64xf32, #tpu.memory_space<vmem>>, vector<16xf32>,
        tpu.vector_store %arg6[%swap3A_462, %swap3A_463], %mul3A_461 {strides = array<i32>} : memref<256x64xf32, #tpu.memory_space<vmem>>, vector<16xf32>,
        %get3A_465 = arith.index_cast %scan3A_446 : i32 to index
        %get3A_466 = arith.constant 32 : index
        %get3A_467 = tpu.vector_load %arg6[%get3A_465, %get3A_466] {strides = array<i32>} : memref<256x64xf32, #tpu.memory_space<vmem>>, vector<16xf32>,
        %mul3A_468 = arith.constant 8.000000e+00 : f32
        %mul3A_469 = vector.broadcast %mul3A_468 : f32 to vector<16xf32>
        %mul3A_470 = arith.mulf %get3A_467, %mul3A_469 : vector<16xf32>
        %swap3A_471 = arith.index_cast %scan3A_446 : i32 to index
        %swap3A_472 = arith.constant 32 : index
        %swap3A_473 = tpu.vector_load %arg6[%swap3A_471, %swap3A_472] {strides = array<i32>} : memref<256x64xf32, #tpu.memory_space<vmem>>, vector<16xf32>,
        tpu.vector_store %arg6[%swap3A_471, %swap3A_472], %mul3A_470 {strides = array<i32>} : memref<256x64xf32, #tpu.memory_space<vmem>>, vector<16xf32>,
        %get3A_474 = arith.index_cast %scan3A_446 : i32 to index
        %get3A_475 = arith.constant 48 : index
        %get3A_476 = tpu.vector_load %arg6[%get3A_474, %get3A_475] {strides = array<i32>} : memref<256x64xf32, #tpu.memory_space<vmem>>, vector<16xf32>,
        %mul3A_477 = arith.constant 8.000000e+00 : f32
        %mul3A_478 = vector.broadcast %mul3A_477 : f32 to vector<16xf32>
        %mul3A_479 = arith.mulf %get3A_476, %mul3A_478 : vector<16xf32>
        %swap3A_480 = arith.index_cast %scan3A_446 : i32 to index
        %swap3A_481 = arith.constant 48 : index
        %swap3A_482 = tpu.vector_load %arg6[%swap3A_480, %swap3A_481] {strides = array<i32>} : memref<256x64xf32, #tpu.memory_space<vmem>>, vector<16xf32>,
        tpu.vector_store %arg6[%swap3A_480, %swap3A_481], %mul3A_479 {strides = array<i32>} : memref<256x64xf32, #tpu.memory_space<vmem>>, vector<16xf32>,
      }
      %scan3A_66 = arith.constant 256 : i32
      %mul3A_67 = arith.constant 256 : i32
      %mul3A_68 = arith.muli %add3A_44, %mul3A_67 : i32
      %add3A_69 = arith.addi %mul3A_2, %mul3A_68 : i32
      %dma_start3A_70 = arith.constant 0 : i32
      %dma_start3A_71 = tpu.memref_slice %arg4[%add3A_69, %dma_start3A_70] : memref<819200x64xf32, #tpu.memory_space<hbm>> -> memref<256x64xf32, #tpu.memory_space<hbm>>
      %dma_start3A_72 = arith.constant 0 : i32
      %dma_start3A_73 = tpu.memref_slice %arg4[%add3A_69, %dma_start3A_72] : memref<819200x64xf32, #tpu.memory_space<hbm>> -> memref<256x64xf32, #tpu.memory_space<hbm>>
      tpu.enqueue_dma source(%arg6 : memref<256x64xf32, #tpu.memory_space<vmem>>) target(%dma_start3A_73 : memref<256x64xf32, #tpu.memory_space<hbm>>) target_semaphore(%arg14 : memref<!tpu.dma_semaphore, #tpu.memory_space<semaphore_mem>>)
      %add3A_74 = arith.constant 1 : i32
      %add3A_75 = arith.addi %mul3A_42, %add3A_74 : i32
      %add3A_76 = arith.constant 2 : i32
      %add3A_77 = arith.addi %add3A_75, %add3A_76 : i32
      %lt3A_78 = arith.constant 100 : i32
      %lt3A_79 = arith.cmpi slt, %add3A_77, %lt3A_78 : i32
      %ge3A_80 = arith.constant 4 : i32
      %ge3A_81 = arith.cmpi sge, %add3A_77, %ge3A_80 : i32
      %and3A_82 = arith.andi %lt3A_79, %ge3A_81 : i1
      %convert_element_type3A_83 = arith.extui %and3A_82 : i1 to i32
      %cond3A_84 = arith.constant 0 : i32
      %cond3A_85 = arith.cmpi ne, %convert_element_type3A_83, %cond3A_84 : i32
      scf.if %cond3A_85 {
        %sub3A = arith.constant 4 : i32
        %sub3A_182 = arith.subi %add3A_77, %sub3A : i32
        %mul3A_183 = arith.constant 256 : i32
        %mul3A_184 = arith.muli %sub3A_182, %mul3A_183 : i32
        %add3A_185 = arith.addi %mul3A_2, %mul3A_184 : i32
        %dma_wait3A_186 = arith.constant 0 : i32
        %dma_wait3A_187 = tpu.memref_slice %arg4[%add3A_185, %dma_wait3A_186] : memref<819200x64xf32, #tpu.memory_space<hbm>> -> memref<256x64xf32, #tpu.memory_space<hbm>>
        %dma_wait3A_188 = arith.constant 0 : i32
        %dma_wait3A_189 = tpu.memref_slice %arg4[%add3A_185, %dma_wait3A_188] : memref<819200x64xf32, #tpu.memory_space<hbm>> -> memref<256x64xf32, #tpu.memory_space<hbm>>
        tpu.wait_dma2 semaphore(%arg17 : memref<!tpu.dma_semaphore, #tpu.memory_space<semaphore_mem>>) src(%arg9 : memref<256x64xf32, #tpu.memory_space<vmem>>) dst(%dma_wait3A_189 : memref<256x64xf32, #tpu.memory_space<hbm>>)
      } else {
      }
      %lt3A_86 = arith.constant 100 : i32
      %lt3A_87 = arith.cmpi slt, %add3A_77, %lt3A_86 : i32
      %convert_element_type3A_88 = arith.extui %lt3A_87 : i1 to i32
      %cond3A_89 = arith.constant 0 : i32
      %cond3A_90 = arith.cmpi ne, %convert_element_type3A_88, %cond3A_89 : i32
      scf.if %cond3A_90 {
        %mul3A_182 = arith.constant 256 : i32
        %mul3A_183 = arith.muli %add3A_77, %mul3A_182 : i32
        %dma_start3A_184 = tpu.memref_slice %arg5[%mul3A_183] : memref<25600xi32, #tpu.memory_space<vmem>> -> memref<256xi32, #tpu.memory_space<vmem>>
        %dma_start3A_185 = arith.constant 0 : i32
        %dma_start3A_186 = arith.constant 0 : i32
        %dma_start3A_187 = tpu.memref_slice %arg3[%dma_start3A_185, %dma_start3A_186] : memref<1000000x64xf32, #tpu.memory_space<hbm>> -> memref<1000000x64xf32, #tpu.memory_space<hbm>>
        tpu.enqueue_indirect_dma source(%dma_start3A_187 : memref<1000000x64xf32, #tpu.memory_space<hbm>>) target(%arg9 : memref<256x64xf32, #tpu.memory_space<vmem>>) offsets(%dma_start3A_184 : memref<256xi32, #tpu.memory_space<vmem>>) semaphore(%arg13 : memref<!tpu.dma_semaphore, #tpu.memory_space<semaphore_mem>>)
      } else {
      }
      %mul3A_91 = arith.constant 256 : i32
      %mul3A_92 = arith.muli %add3A_75, %mul3A_91 : i32
      %dma_wait3A_93 = tpu.memref_slice %arg5[%mul3A_92] : memref<25600xi32, #tpu.memory_space<vmem>> -> memref<256xi32, #tpu.memory_space<vmem>>
      %dma_wait3A_94 = arith.constant 0 : i32
      %dma_wait3A_95 = arith.constant 0 : i32
      %dma_wait3A_96 = tpu.memref_slice %arg3[%dma_wait3A_94, %dma_wait3A_95] : memref<1000000x64xf32, #tpu.memory_space<hbm>> -> memref<1000000x64xf32, #tpu.memory_space<hbm>>
      tpu.wait_indirect_dma semaphore(%arg11 : memref<!tpu.dma_semaphore, #tpu.memory_space<semaphore_mem>>) src(%dma_wait3A_96 : memref<1000000x64xf32, #tpu.memory_space<hbm>>) dst(%arg7 : memref<256x64xf32, #tpu.memory_space<vmem>>)
      %scan3A_97 = arith.constant 0 : i32
      %scan3A_98 = arith.constant 0 : i32
      %scan3A_99 = arith.constant 256 : i32
      %scan3A_100 = arith.addi %scan3A_98, %scan3A_99 : i32
      %scan3A_101 = arith.constant 8 : i32
      scf.for %scan3A_182 = %scan3A_98 to %scan3A_100 step %scan3A_101  : i32 {
        %get3A = arith.index_cast %scan3A_182 : i32 to index
        %get3A_183 = arith.constant 0 : index
        %get3A_184 = tpu.vector_load %arg7[%get3A, %get3A_183] {strides = array<i32>} : memref<256x64xf32, #tpu.memory_space<vmem>>, vector<16xf32>,
        %mul3A_185 = arith.constant 8.000000e+00 : f32
        %mul3A_186 = vector.broadcast %mul3A_185 : f32 to vector<16xf32>
        %mul3A_187 = arith.mulf %get3A_184, %mul3A_186 : vector<16xf32>
        %swap3A = arith.index_cast %scan3A_182 : i32 to index
        %swap3A_188 = arith.constant 0 : index
        %swap3A_189 = tpu.vector_load %arg7[%swap3A, %swap3A_188] {strides = array<i32>} : memref<256x64xf32, #tpu.memory_space<vmem>>, vector<16xf32>,
        tpu.vector_store %arg7[%swap3A, %swap3A_188], %mul3A_187 {strides = array<i32>} : memref<256x64xf32, #tpu.memory_space<vmem>>, vector<16xf32>,
        %get3A_190 = arith.index_cast %scan3A_182 : i32 to index
        %get3A_191 = arith.constant 16 : index
        %get3A_192 = tpu.vector_load %arg7[%get3A_190, %get3A_191] {strides = array<i32>} : memref<256x64xf32, #tpu.memory_space<vmem>>, vector<16xf32>,
        %mul3A_193 = arith.constant 8.000000e+00 : f32
        %mul3A_194 = vector.broadcast %mul3A_193 : f32 to vector<16xf32>
        %mul3A_195 = arith.mulf %get3A_192, %mul3A_194 : vector<16xf32>
        %swap3A_196 = arith.index_cast %scan3A_182 : i32 to index
        %swap3A_197 = arith.constant 16 : index
        %swap3A_198 = tpu.vector_load %arg7[%swap3A_196, %swap3A_197] {strides = array<i32>} : memref<256x64xf32, #tpu.memory_space<vmem>>, vector<16xf32>,
        tpu.vector_store %arg7[%swap3A_196, %swap3A_197], %mul3A_195 {strides = array<i32>} : memref<256x64xf32, #tpu.memory_space<vmem>>, vector<16xf32>,
        %get3A_199 = arith.index_cast %scan3A_182 : i32 to index
        %get3A_200 = arith.constant 32 : index
        %get3A_201 = tpu.vector_load %arg7[%get3A_199, %get3A_200] {strides = array<i32>} : memref<256x64xf32, #tpu.memory_space<vmem>>, vector<16xf32>,
        %mul3A_202 = arith.constant 8.000000e+00 : f32
        %mul3A_203 = vector.broadcast %mul3A_202 : f32 to vector<16xf32>
        %mul3A_204 = arith.mulf %get3A_201, %mul3A_203 : vector<16xf32>
        %swap3A_205 = arith.index_cast %scan3A_182 : i32 to index
        %swap3A_206 = arith.constant 32 : index
        %swap3A_207 = tpu.vector_load %arg7[%swap3A_205, %swap3A_206] {strides = array<i32>} : memref<256x64xf32, #tpu.memory_space<vmem>>, vector<16xf32>,
        tpu.vector_store %arg7[%swap3A_205, %swap3A_206], %mul3A_204 {strides = array<i32>} : memref<256x64xf32, #tpu.memory_space<vmem>>, vector<16xf32>,
        %get3A_208 = arith.index_cast %scan3A_182 : i32 to index
        %get3A_209 = arith.constant 48 : index
        %get3A_210 = tpu.vector_load %arg7[%get3A_208, %get3A_209] {strides = array<i32>} : memref<256x64xf32, #tpu.memory_space<vmem>>, vector<16xf32>,
        %mul3A_211 = arith.constant 8.000000e+00 : f32
        %mul3A_212 = vector.broadcast %mul3A_211 : f32 to vector<16xf32>
        %mul3A_213 = arith.mulf %get3A_210, %mul3A_212 : vector<16xf32>
        %swap3A_214 = arith.index_cast %scan3A_182 : i32 to index
        %swap3A_215 = arith.constant 48 : index
        %swap3A_216 = tpu.vector_load %arg7[%swap3A_214, %swap3A_215] {strides = array<i32>} : memref<256x64xf32, #tpu.memory_space<vmem>>, vector<16xf32>,
        tpu.vector_store %arg7[%swap3A_214, %swap3A_215], %mul3A_213 {strides = array<i32>} : memref<256x64xf32, #tpu.memory_space<vmem>>, vector<16xf32>,
        %scan3A_217 = arith.constant 1 : i32
        %scan3A_218 = arith.addi %scan3A_182, %scan3A_217 : i32
        %get3A_219 = arith.index_cast %scan3A_218 : i32 to index
        %get3A_220 = arith.constant 0 : index
        %get3A_221 = tpu.vector_load %arg7[%get3A_219, %get3A_220] {strides = array<i32>} : memref<256x64xf32, #tpu.memory_space<vmem>>, vector<16xf32>,
        %mul3A_222 = arith.constant 8.000000e+00 : f32
        %mul3A_223 = vector.broadcast %mul3A_222 : f32 to vector<16xf32>
        %mul3A_224 = arith.mulf %get3A_221, %mul3A_223 : vector<16xf32>
        %swap3A_225 = arith.index_cast %scan3A_218 : i32 to index
        %swap3A_226 = arith.constant 0 : index
        %swap3A_227 = tpu.vector_load %arg7[%swap3A_225, %swap3A_226] {strides = array<i32>} : memref<256x64xf32, #tpu.memory_space<vmem>>, vector<16xf32>,
        tpu.vector_store %arg7[%swap3A_225, %swap3A_226], %mul3A_224 {strides = array<i32>} : memref<256x64xf32, #tpu.memory_space<vmem>>, vector<16xf32>,
        %get3A_228 = arith.index_cast %scan3A_218 : i32 to index
        %get3A_229 = arith.constant 16 : index
        %get3A_230 = tpu.vector_load %arg7[%get3A_228, %get3A_229] {strides = array<i32>} : memref<256x64xf32, #tpu.memory_space<vmem>>, vector<16xf32>,
        %mul3A_231 = arith.constant 8.000000e+00 : f32
        %mul3A_232 = vector.broadcast %mul3A_231 : f32 to vector<16xf32>
        %mul3A_233 = arith.mulf %get3A_230, %mul3A_232 : vector<16xf32>
        %swap3A_234 = arith.index_cast %scan3A_218 : i32 to index
        %swap3A_235 = arith.constant 16 : index
        %swap3A_236 = tpu.vector_load %arg7[%swap3A_234, %swap3A_235] {strides = array<i32>} : memref<256x64xf32, #tpu.memory_space<vmem>>, vector<16xf32>,
        tpu.vector_store %arg7[%swap3A_234, %swap3A_235], %mul3A_233 {strides = array<i32>} : memref<256x64xf32, #tpu.memory_space<vmem>>, vector<16xf32>,
        %get3A_237 = arith.index_cast %scan3A_218 : i32 to index
        %get3A_238 = arith.constant 32 : index
        %get3A_239 = tpu.vector_load %arg7[%get3A_237, %get3A_238] {strides = array<i32>} : memref<256x64xf32, #tpu.memory_space<vmem>>, vector<16xf32>,
        %mul3A_240 = arith.constant 8.000000e+00 : f32
        %mul3A_241 = vector.broadcast %mul3A_240 : f32 to vector<16xf32>
        %mul3A_242 = arith.mulf %get3A_239, %mul3A_241 : vector<16xf32>
        %swap3A_243 = arith.index_cast %scan3A_218 : i32 to index
        %swap3A_244 = arith.constant 32 : index
        %swap3A_245 = tpu.vector_load %arg7[%swap3A_243, %swap3A_244] {strides = array<i32>} : memref<256x64xf32, #tpu.memory_space<vmem>>, vector<16xf32>,
        tpu.vector_store %arg7[%swap3A_243, %swap3A_244], %mul3A_242 {strides = array<i32>} : memref<256x64xf32, #tpu.memory_space<vmem>>, vector<16xf32>,
        %get3A_246 = arith.index_cast %scan3A_218 : i32 to index
        %get3A_247 = arith.constant 48 : index
        %get3A_248 = tpu.vector_load %arg7[%get3A_246, %get3A_247] {strides = array<i32>} : memref<256x64xf32, #tpu.memory_space<vmem>>, vector<16xf32>,
        %mul3A_249 = arith.constant 8.000000e+00 : f32
        %mul3A_250 = vector.broadcast %mul3A_249 : f32 to vector<16xf32>
        %mul3A_251 = arith.mulf %get3A_248, %mul3A_250 : vector<16xf32>
        %swap3A_252 = arith.index_cast %scan3A_218 : i32 to index
        %swap3A_253 = arith.constant 48 : index
        %swap3A_254 = tpu.vector_load %arg7[%swap3A_252, %swap3A_253] {strides = array<i32>} : memref<256x64xf32, #tpu.memory_space<vmem>>, vector<16xf32>,
        tpu.vector_store %arg7[%swap3A_252, %swap3A_253], %mul3A_251 {strides = array<i32>} : memref<256x64xf32, #tpu.memory_space<vmem>>, vector<16xf32>,
        %scan3A_255 = arith.constant 2 : i32
        %scan3A_256 = arith.addi %scan3A_182, %scan3A_255 : i32
        %get3A_257 = arith.index_cast %scan3A_256 : i32 to index
        %get3A_258 = arith.constant 0 : index
        %get3A_259 = tpu.vector_load %arg7[%get3A_257, %get3A_258] {strides = array<i32>} : memref<256x64xf32, #tpu.memory_space<vmem>>, vector<16xf32>,
        %mul3A_260 = arith.constant 8.000000e+00 : f32
        %mul3A_261 = vector.broadcast %mul3A_260 : f32 to vector<16xf32>
        %mul3A_262 = arith.mulf %get3A_259, %mul3A_261 : vector<16xf32>
        %swap3A_263 = arith.index_cast %scan3A_256 : i32 to index
        %swap3A_264 = arith.constant 0 : index
        %swap3A_265 = tpu.vector_load %arg7[%swap3A_263, %swap3A_264] {strides = array<i32>} : memref<256x64xf32, #tpu.memory_space<vmem>>, vector<16xf32>,
        tpu.vector_store %arg7[%swap3A_263, %swap3A_264], %mul3A_262 {strides = array<i32>} : memref<256x64xf32, #tpu.memory_space<vmem>>, vector<16xf32>,
        %get3A_266 = arith.index_cast %scan3A_256 : i32 to index
        %get3A_267 = arith.constant 16 : index
        %get3A_268 = tpu.vector_load %arg7[%get3A_266, %get3A_267] {strides = array<i32>} : memref<256x64xf32, #tpu.memory_space<vmem>>, vector<16xf32>,
        %mul3A_269 = arith.constant 8.000000e+00 : f32
        %mul3A_270 = vector.broadcast %mul3A_269 : f32 to vector<16xf32>
        %mul3A_271 = arith.mulf %get3A_268, %mul3A_270 : vector<16xf32>
        %swap3A_272 = arith.index_cast %scan3A_256 : i32 to index
        %swap3A_273 = arith.constant 16 : index
        %swap3A_274 = tpu.vector_load %arg7[%swap3A_272, %swap3A_273] {strides = array<i32>} : memref<256x64xf32, #tpu.memory_space<vmem>>, vector<16xf32>,
        tpu.vector_store %arg7[%swap3A_272, %swap3A_273], %mul3A_271 {strides = array<i32>} : memref<256x64xf32, #tpu.memory_space<vmem>>, vector<16xf32>,
        %get3A_275 = arith.index_cast %scan3A_256 : i32 to index
        %get3A_276 = arith.constant 32 : index
        %get3A_277 = tpu.vector_load %arg7[%get3A_275, %get3A_276] {strides = array<i32>} : memref<256x64xf32, #tpu.memory_space<vmem>>, vector<16xf32>,
        %mul3A_278 = arith.constant 8.000000e+00 : f32
        %mul3A_279 = vector.broadcast %mul3A_278 : f32 to vector<16xf32>
        %mul3A_280 = arith.mulf %get3A_277, %mul3A_279 : vector<16xf32>
        %swap3A_281 = arith.index_cast %scan3A_256 : i32 to index
        %swap3A_282 = arith.constant 32 : index
        %swap3A_283 = tpu.vector_load %arg7[%swap3A_281, %swap3A_282] {strides = array<i32>} : memref<256x64xf32, #tpu.memory_space<vmem>>, vector<16xf32>,
        tpu.vector_store %arg7[%swap3A_281, %swap3A_282], %mul3A_280 {strides = array<i32>} : memref<256x64xf32, #tpu.memory_space<vmem>>, vector<16xf32>,
        %get3A_284 = arith.index_cast %scan3A_256 : i32 to index
        %get3A_285 = arith.constant 48 : index
        %get3A_286 = tpu.vector_load %arg7[%get3A_284, %get3A_285] {strides = array<i32>} : memref<256x64xf32, #tpu.memory_space<vmem>>, vector<16xf32>,
        %mul3A_287 = arith.constant 8.000000e+00 : f32
        %mul3A_288 = vector.broadcast %mul3A_287 : f32 to vector<16xf32>
        %mul3A_289 = arith.mulf %get3A_286, %mul3A_288 : vector<16xf32>
        %swap3A_290 = arith.index_cast %scan3A_256 : i32 to index
        %swap3A_291 = arith.constant 48 : index
        %swap3A_292 = tpu.vector_load %arg7[%swap3A_290, %swap3A_291] {strides = array<i32>} : memref<256x64xf32, #tpu.memory_space<vmem>>, vector<16xf32>,
        tpu.vector_store %arg7[%swap3A_290, %swap3A_291], %mul3A_289 {strides = array<i32>} : memref<256x64xf32, #tpu.memory_space<vmem>>, vector<16xf32>,
        %scan3A_293 = arith.constant 3 : i32
        %scan3A_294 = arith.addi %scan3A_182, %scan3A_293 : i32
        %get3A_295 = arith.index_cast %scan3A_294 : i32 to index
        %get3A_296 = arith.constant 0 : index
        %get3A_297 = tpu.vector_load %arg7[%get3A_295, %get3A_296] {strides = array<i32>} : memref<256x64xf32, #tpu.memory_space<vmem>>, vector<16xf32>,
        %mul3A_298 = arith.constant 8.000000e+00 : f32
        %mul3A_299 = vector.broadcast %mul3A_298 : f32 to vector<16xf32>
        %mul3A_300 = arith.mulf %get3A_297, %mul3A_299 : vector<16xf32>
        %swap3A_301 = arith.index_cast %scan3A_294 : i32 to index
        %swap3A_302 = arith.constant 0 : index
        %swap3A_303 = tpu.vector_load %arg7[%swap3A_301, %swap3A_302] {strides = array<i32>} : memref<256x64xf32, #tpu.memory_space<vmem>>, vector<16xf32>,
        tpu.vector_store %arg7[%swap3A_301, %swap3A_302], %mul3A_300 {strides = array<i32>} : memref<256x64xf32, #tpu.memory_space<vmem>>, vector<16xf32>,
        %get3A_304 = arith.index_cast %scan3A_294 : i32 to index
        %get3A_305 = arith.constant 16 : index
        %get3A_306 = tpu.vector_load %arg7[%get3A_304, %get3A_305] {strides = array<i32>} : memref<256x64xf32, #tpu.memory_space<vmem>>, vector<16xf32>,
        %mul3A_307 = arith.constant 8.000000e+00 : f32
        %mul3A_308 = vector.broadcast %mul3A_307 : f32 to vector<16xf32>
        %mul3A_309 = arith.mulf %get3A_306, %mul3A_308 : vector<16xf32>
        %swap3A_310 = arith.index_cast %scan3A_294 : i32 to index
        %swap3A_311 = arith.constant 16 : index
        %swap3A_312 = tpu.vector_load %arg7[%swap3A_310, %swap3A_311] {strides = array<i32>} : memref<256x64xf32, #tpu.memory_space<vmem>>, vector<16xf32>,
        tpu.vector_store %arg7[%swap3A_310, %swap3A_311], %mul3A_309 {strides = array<i32>} : memref<256x64xf32, #tpu.memory_space<vmem>>, vector<16xf32>,
        %get3A_313 = arith.index_cast %scan3A_294 : i32 to index
        %get3A_314 = arith.constant 32 : index
        %get3A_315 = tpu.vector_load %arg7[%get3A_313, %get3A_314] {strides = array<i32>} : memref<256x64xf32, #tpu.memory_space<vmem>>, vector<16xf32>,
        %mul3A_316 = arith.constant 8.000000e+00 : f32
        %mul3A_317 = vector.broadcast %mul3A_316 : f32 to vector<16xf32>
        %mul3A_318 = arith.mulf %get3A_315, %mul3A_317 : vector<16xf32>
        %swap3A_319 = arith.index_cast %scan3A_294 : i32 to index
        %swap3A_320 = arith.constant 32 : index
        %swap3A_321 = tpu.vector_load %arg7[%swap3A_319, %swap3A_320] {strides = array<i32>} : memref<256x64xf32, #tpu.memory_space<vmem>>, vector<16xf32>,
        tpu.vector_store %arg7[%swap3A_319, %swap3A_320], %mul3A_318 {strides = array<i32>} : memref<256x64xf32, #tpu.memory_space<vmem>>, vector<16xf32>,
        %get3A_322 = arith.index_cast %scan3A_294 : i32 to index
        %get3A_323 = arith.constant 48 : index
        %get3A_324 = tpu.vector_load %arg7[%get3A_322, %get3A_323] {strides = array<i32>} : memref<256x64xf32, #tpu.memory_space<vmem>>, vector<16xf32>,
        %mul3A_325 = arith.constant 8.000000e+00 : f32
        %mul3A_326 = vector.broadcast %mul3A_325 : f32 to vector<16xf32>
        %mul3A_327 = arith.mulf %get3A_324, %mul3A_326 : vector<16xf32>
        %swap3A_328 = arith.index_cast %scan3A_294 : i32 to index
        %swap3A_329 = arith.constant 48 : index
        %swap3A_330 = tpu.vector_load %arg7[%swap3A_328, %swap3A_329] {strides = array<i32>} : memref<256x64xf32, #tpu.memory_space<vmem>>, vector<16xf32>,
        tpu.vector_store %arg7[%swap3A_328, %swap3A_329], %mul3A_327 {strides = array<i32>} : memref<256x64xf32, #tpu.memory_space<vmem>>, vector<16xf32>,
        %scan3A_331 = arith.constant 4 : i32
        %scan3A_332 = arith.addi %scan3A_182, %scan3A_331 : i32
        %get3A_333 = arith.index_cast %scan3A_332 : i32 to index
        %get3A_334 = arith.constant 0 : index
        %get3A_335 = tpu.vector_load %arg7[%get3A_333, %get3A_334] {strides = array<i32>} : memref<256x64xf32, #tpu.memory_space<vmem>>, vector<16xf32>,
        %mul3A_336 = arith.constant 8.000000e+00 : f32
        %mul3A_337 = vector.broadcast %mul3A_336 : f32 to vector<16xf32>
        %mul3A_338 = arith.mulf %get3A_335, %mul3A_337 : vector<16xf32>
        %swap3A_339 = arith.index_cast %scan3A_332 : i32 to index
        %swap3A_340 = arith.constant 0 : index
        %swap3A_341 = tpu.vector_load %arg7[%swap3A_339, %swap3A_340] {strides = array<i32>} : memref<256x64xf32, #tpu.memory_space<vmem>>, vector<16xf32>,
        tpu.vector_store %arg7[%swap3A_339, %swap3A_340], %mul3A_338 {strides = array<i32>} : memref<256x64xf32, #tpu.memory_space<vmem>>, vector<16xf32>,
        %get3A_342 = arith.index_cast %scan3A_332 : i32 to index
        %get3A_343 = arith.constant 16 : index
        %get3A_344 = tpu.vector_load %arg7[%get3A_342, %get3A_343] {strides = array<i32>} : memref<256x64xf32, #tpu.memory_space<vmem>>, vector<16xf32>,
        %mul3A_345 = arith.constant 8.000000e+00 : f32
        %mul3A_346 = vector.broadcast %mul3A_345 : f32 to vector<16xf32>
        %mul3A_347 = arith.mulf %get3A_344, %mul3A_346 : vector<16xf32>
        %swap3A_348 = arith.index_cast %scan3A_332 : i32 to index
        %swap3A_349 = arith.constant 16 : index
        %swap3A_350 = tpu.vector_load %arg7[%swap3A_348, %swap3A_349] {strides = array<i32>} : memref<256x64xf32, #tpu.memory_space<vmem>>, vector<16xf32>,
        tpu.vector_store %arg7[%swap3A_348, %swap3A_349], %mul3A_347 {strides = array<i32>} : memref<256x64xf32, #tpu.memory_space<vmem>>, vector<16xf32>,
        %get3A_351 = arith.index_cast %scan3A_332 : i32 to index
        %get3A_352 = arith.constant 32 : index
        %get3A_353 = tpu.vector_load %arg7[%get3A_351, %get3A_352] {strides = array<i32>} : memref<256x64xf32, #tpu.memory_space<vmem>>, vector<16xf32>,
        %mul3A_354 = arith.constant 8.000000e+00 : f32
        %mul3A_355 = vector.broadcast %mul3A_354 : f32 to vector<16xf32>
        %mul3A_356 = arith.mulf %get3A_353, %mul3A_355 : vector<16xf32>
        %swap3A_357 = arith.index_cast %scan3A_332 : i32 to index
        %swap3A_358 = arith.constant 32 : index
        %swap3A_359 = tpu.vector_load %arg7[%swap3A_357, %swap3A_358] {strides = array<i32>} : memref<256x64xf32, #tpu.memory_space<vmem>>, vector<16xf32>,
        tpu.vector_store %arg7[%swap3A_357, %swap3A_358], %mul3A_356 {strides = array<i32>} : memref<256x64xf32, #tpu.memory_space<vmem>>, vector<16xf32>,
        %get3A_360 = arith.index_cast %scan3A_332 : i32 to index
        %get3A_361 = arith.constant 48 : index
        %get3A_362 = tpu.vector_load %arg7[%get3A_360, %get3A_361] {strides = array<i32>} : memref<256x64xf32, #tpu.memory_space<vmem>>, vector<16xf32>,
        %mul3A_363 = arith.constant 8.000000e+00 : f32
        %mul3A_364 = vector.broadcast %mul3A_363 : f32 to vector<16xf32>
        %mul3A_365 = arith.mulf %get3A_362, %mul3A_364 : vector<16xf32>
        %swap3A_366 = arith.index_cast %scan3A_332 : i32 to index
        %swap3A_367 = arith.constant 48 : index
        %swap3A_368 = tpu.vector_load %arg7[%swap3A_366, %swap3A_367] {strides = array<i32>} : memref<256x64xf32, #tpu.memory_space<vmem>>, vector<16xf32>,
        tpu.vector_store %arg7[%swap3A_366, %swap3A_367], %mul3A_365 {strides = array<i32>} : memref<256x64xf32, #tpu.memory_space<vmem>>, vector<16xf32>,
        %scan3A_369 = arith.constant 5 : i32
        %scan3A_370 = arith.addi %scan3A_182, %scan3A_369 : i32
        %get3A_371 = arith.index_cast %scan3A_370 : i32 to index
        %get3A_372 = arith.constant 0 : index
        %get3A_373 = tpu.vector_load %arg7[%get3A_371, %get3A_372] {strides = array<i32>} : memref<256x64xf32, #tpu.memory_space<vmem>>, vector<16xf32>,
        %mul3A_374 = arith.constant 8.000000e+00 : f32
        %mul3A_375 = vector.broadcast %mul3A_374 : f32 to vector<16xf32>
        %mul3A_376 = arith.mulf %get3A_373, %mul3A_375 : vector<16xf32>
        %swap3A_377 = arith.index_cast %scan3A_370 : i32 to index
        %swap3A_378 = arith.constant 0 : index
        %swap3A_379 = tpu.vector_load %arg7[%swap3A_377, %swap3A_378] {strides = array<i32>} : memref<256x64xf32, #tpu.memory_space<vmem>>, vector<16xf32>,
        tpu.vector_store %arg7[%swap3A_377, %swap3A_378], %mul3A_376 {strides = array<i32>} : memref<256x64xf32, #tpu.memory_space<vmem>>, vector<16xf32>,
        %get3A_380 = arith.index_cast %scan3A_370 : i32 to index
        %get3A_381 = arith.constant 16 : index
        %get3A_382 = tpu.vector_load %arg7[%get3A_380, %get3A_381] {strides = array<i32>} : memref<256x64xf32, #tpu.memory_space<vmem>>, vector<16xf32>,
        %mul3A_383 = arith.constant 8.000000e+00 : f32
        %mul3A_384 = vector.broadcast %mul3A_383 : f32 to vector<16xf32>
        %mul3A_385 = arith.mulf %get3A_382, %mul3A_384 : vector<16xf32>
        %swap3A_386 = arith.index_cast %scan3A_370 : i32 to index
        %swap3A_387 = arith.constant 16 : index
        %swap3A_388 = tpu.vector_load %arg7[%swap3A_386, %swap3A_387] {strides = array<i32>} : memref<256x64xf32, #tpu.memory_space<vmem>>, vector<16xf32>,
        tpu.vector_store %arg7[%swap3A_386, %swap3A_387], %mul3A_385 {strides = array<i32>} : memref<256x64xf32, #tpu.memory_space<vmem>>, vector<16xf32>,
        %get3A_389 = arith.index_cast %scan3A_370 : i32 to index
        %get3A_390 = arith.constant 32 : index
        %get3A_391 = tpu.vector_load %arg7[%get3A_389, %get3A_390] {strides = array<i32>} : memref<256x64xf32, #tpu.memory_space<vmem>>, vector<16xf32>,
        %mul3A_392 = arith.constant 8.000000e+00 : f32
        %mul3A_393 = vector.broadcast %mul3A_392 : f32 to vector<16xf32>
        %mul3A_394 = arith.mulf %get3A_391, %mul3A_393 : vector<16xf32>
        %swap3A_395 = arith.index_cast %scan3A_370 : i32 to index
        %swap3A_396 = arith.constant 32 : index
        %swap3A_397 = tpu.vector_load %arg7[%swap3A_395, %swap3A_396] {strides = array<i32>} : memref<256x64xf32, #tpu.memory_space<vmem>>, vector<16xf32>,
        tpu.vector_store %arg7[%swap3A_395, %swap3A_396], %mul3A_394 {strides = array<i32>} : memref<256x64xf32, #tpu.memory_space<vmem>>, vector<16xf32>,
        %get3A_398 = arith.index_cast %scan3A_370 : i32 to index
        %get3A_399 = arith.constant 48 : index
        %get3A_400 = tpu.vector_load %arg7[%get3A_398, %get3A_399] {strides = array<i32>} : memref<256x64xf32, #tpu.memory_space<vmem>>, vector<16xf32>,
        %mul3A_401 = arith.constant 8.000000e+00 : f32
        %mul3A_402 = vector.broadcast %mul3A_401 : f32 to vector<16xf32>
        %mul3A_403 = arith.mulf %get3A_400, %mul3A_402 : vector<16xf32>
        %swap3A_404 = arith.index_cast %scan3A_370 : i32 to index
        %swap3A_405 = arith.constant 48 : index
        %swap3A_406 = tpu.vector_load %arg7[%swap3A_404, %swap3A_405] {strides = array<i32>} : memref<256x64xf32, #tpu.memory_space<vmem>>, vector<16xf32>,
        tpu.vector_store %arg7[%swap3A_404, %swap3A_405], %mul3A_403 {strides = array<i32>} : memref<256x64xf32, #tpu.memory_space<vmem>>, vector<16xf32>,
        %scan3A_407 = arith.constant 6 : i32
        %scan3A_408 = arith.addi %scan3A_182, %scan3A_407 : i32
        %get3A_409 = arith.index_cast %scan3A_408 : i32 to index
        %get3A_410 = arith.constant 0 : index
        %get3A_411 = tpu.vector_load %arg7[%get3A_409, %get3A_410] {strides = array<i32>} : memref<256x64xf32, #tpu.memory_space<vmem>>, vector<16xf32>,
        %mul3A_412 = arith.constant 8.000000e+00 : f32
        %mul3A_413 = vector.broadcast %mul3A_412 : f32 to vector<16xf32>
        %mul3A_414 = arith.mulf %get3A_411, %mul3A_413 : vector<16xf32>
        %swap3A_415 = arith.index_cast %scan3A_408 : i32 to index
        %swap3A_416 = arith.constant 0 : index
        %swap3A_417 = tpu.vector_load %arg7[%swap3A_415, %swap3A_416] {strides = array<i32>} : memref<256x64xf32, #tpu.memory_space<vmem>>, vector<16xf32>,
        tpu.vector_store %arg7[%swap3A_415, %swap3A_416], %mul3A_414 {strides = array<i32>} : memref<256x64xf32, #tpu.memory_space<vmem>>, vector<16xf32>,
        %get3A_418 = arith.index_cast %scan3A_408 : i32 to index
        %get3A_419 = arith.constant 16 : index
        %get3A_420 = tpu.vector_load %arg7[%get3A_418, %get3A_419] {strides = array<i32>} : memref<256x64xf32, #tpu.memory_space<vmem>>, vector<16xf32>,
        %mul3A_421 = arith.constant 8.000000e+00 : f32
        %mul3A_422 = vector.broadcast %mul3A_421 : f32 to vector<16xf32>
        %mul3A_423 = arith.mulf %get3A_420, %mul3A_422 : vector<16xf32>
        %swap3A_424 = arith.index_cast %scan3A_408 : i32 to index
        %swap3A_425 = arith.constant 16 : index
        %swap3A_426 = tpu.vector_load %arg7[%swap3A_424, %swap3A_425] {strides = array<i32>} : memref<256x64xf32, #tpu.memory_space<vmem>>, vector<16xf32>,
        tpu.vector_store %arg7[%swap3A_424, %swap3A_425], %mul3A_423 {strides = array<i32>} : memref<256x64xf32, #tpu.memory_space<vmem>>, vector<16xf32>,
        %get3A_427 = arith.index_cast %scan3A_408 : i32 to index
        %get3A_428 = arith.constant 32 : index
        %get3A_429 = tpu.vector_load %arg7[%get3A_427, %get3A_428] {strides = array<i32>} : memref<256x64xf32, #tpu.memory_space<vmem>>, vector<16xf32>,
        %mul3A_430 = arith.constant 8.000000e+00 : f32
        %mul3A_431 = vector.broadcast %mul3A_430 : f32 to vector<16xf32>
        %mul3A_432 = arith.mulf %get3A_429, %mul3A_431 : vector<16xf32>
        %swap3A_433 = arith.index_cast %scan3A_408 : i32 to index
        %swap3A_434 = arith.constant 32 : index
        %swap3A_435 = tpu.vector_load %arg7[%swap3A_433, %swap3A_434] {strides = array<i32>} : memref<256x64xf32, #tpu.memory_space<vmem>>, vector<16xf32>,
        tpu.vector_store %arg7[%swap3A_433, %swap3A_434], %mul3A_432 {strides = array<i32>} : memref<256x64xf32, #tpu.memory_space<vmem>>, vector<16xf32>,
        %get3A_436 = arith.index_cast %scan3A_408 : i32 to index
        %get3A_437 = arith.constant 48 : index
        %get3A_438 = tpu.vector_load %arg7[%get3A_436, %get3A_437] {strides = array<i32>} : memref<256x64xf32, #tpu.memory_space<vmem>>, vector<16xf32>,
        %mul3A_439 = arith.constant 8.000000e+00 : f32
        %mul3A_440 = vector.broadcast %mul3A_439 : f32 to vector<16xf32>
        %mul3A_441 = arith.mulf %get3A_438, %mul3A_440 : vector<16xf32>
        %swap3A_442 = arith.index_cast %scan3A_408 : i32 to index
        %swap3A_443 = arith.constant 48 : index
        %swap3A_444 = tpu.vector_load %arg7[%swap3A_442, %swap3A_443] {strides = array<i32>} : memref<256x64xf32, #tpu.memory_space<vmem>>, vector<16xf32>,
        tpu.vector_store %arg7[%swap3A_442, %swap3A_443], %mul3A_441 {strides = array<i32>} : memref<256x64xf32, #tpu.memory_space<vmem>>, vector<16xf32>,
        %scan3A_445 = arith.constant 7 : i32
        %scan3A_446 = arith.addi %scan3A_182, %scan3A_445 : i32
        %get3A_447 = arith.index_cast %scan3A_446 : i32 to index
        %get3A_448 = arith.constant 0 : index
        %get3A_449 = tpu.vector_load %arg7[%get3A_447, %get3A_448] {strides = array<i32>} : memref<256x64xf32, #tpu.memory_space<vmem>>, vector<16xf32>,
        %mul3A_450 = arith.constant 8.000000e+00 : f32
        %mul3A_451 = vector.broadcast %mul3A_450 : f32 to vector<16xf32>
        %mul3A_452 = arith.mulf %get3A_449, %mul3A_451 : vector<16xf32>
        %swap3A_453 = arith.index_cast %scan3A_446 : i32 to index
        %swap3A_454 = arith.constant 0 : index
        %swap3A_455 = tpu.vector_load %arg7[%swap3A_453, %swap3A_454] {strides = array<i32>} : memref<256x64xf32, #tpu.memory_space<vmem>>, vector<16xf32>,
        tpu.vector_store %arg7[%swap3A_453, %swap3A_454], %mul3A_452 {strides = array<i32>} : memref<256x64xf32, #tpu.memory_space<vmem>>, vector<16xf32>,
        %get3A_456 = arith.index_cast %scan3A_446 : i32 to index
        %get3A_457 = arith.constant 16 : index
        %get3A_458 = tpu.vector_load %arg7[%get3A_456, %get3A_457] {strides = array<i32>} : memref<256x64xf32, #tpu.memory_space<vmem>>, vector<16xf32>,
        %mul3A_459 = arith.constant 8.000000e+00 : f32
        %mul3A_460 = vector.broadcast %mul3A_459 : f32 to vector<16xf32>
        %mul3A_461 = arith.mulf %get3A_458, %mul3A_460 : vector<16xf32>
        %swap3A_462 = arith.index_cast %scan3A_446 : i32 to index
        %swap3A_463 = arith.constant 16 : index
        %swap3A_464 = tpu.vector_load %arg7[%swap3A_462, %swap3A_463] {strides = array<i32>} : memref<256x64xf32, #tpu.memory_space<vmem>>, vector<16xf32>,
        tpu.vector_store %arg7[%swap3A_462, %swap3A_463], %mul3A_461 {strides = array<i32>} : memref<256x64xf32, #tpu.memory_space<vmem>>, vector<16xf32>,
        %get3A_465 = arith.index_cast %scan3A_446 : i32 to index
        %get3A_466 = arith.constant 32 : index
        %get3A_467 = tpu.vector_load %arg7[%get3A_465, %get3A_466] {strides = array<i32>} : memref<256x64xf32, #tpu.memory_space<vmem>>, vector<16xf32>,
        %mul3A_468 = arith.constant 8.000000e+00 : f32
        %mul3A_469 = vector.broadcast %mul3A_468 : f32 to vector<16xf32>
        %mul3A_470 = arith.mulf %get3A_467, %mul3A_469 : vector<16xf32>
        %swap3A_471 = arith.index_cast %scan3A_446 : i32 to index
        %swap3A_472 = arith.constant 32 : index
        %swap3A_473 = tpu.vector_load %arg7[%swap3A_471, %swap3A_472] {strides = array<i32>} : memref<256x64xf32, #tpu.memory_space<vmem>>, vector<16xf32>,
        tpu.vector_store %arg7[%swap3A_471, %swap3A_472], %mul3A_470 {strides = array<i32>} : memref<256x64xf32, #tpu.memory_space<vmem>>, vector<16xf32>,
        %get3A_474 = arith.index_cast %scan3A_446 : i32 to index
        %get3A_475 = arith.constant 48 : index
        %get3A_476 = tpu.vector_load %arg7[%get3A_474, %get3A_475] {strides = array<i32>} : memref<256x64xf32, #tpu.memory_space<vmem>>, vector<16xf32>,
        %mul3A_477 = arith.constant 8.000000e+00 : f32
        %mul3A_478 = vector.broadcast %mul3A_477 : f32 to vector<16xf32>
        %mul3A_479 = arith.mulf %get3A_476, %mul3A_478 : vector<16xf32>
        %swap3A_480 = arith.index_cast %scan3A_446 : i32 to index
        %swap3A_481 = arith.constant 48 : index
        %swap3A_482 = tpu.vector_load %arg7[%swap3A_480, %swap3A_481] {strides = array<i32>} : memref<256x64xf32, #tpu.memory_space<vmem>>, vector<16xf32>,
        tpu.vector_store %arg7[%swap3A_480, %swap3A_481], %mul3A_479 {strides = array<i32>} : memref<256x64xf32, #tpu.memory_space<vmem>>, vector<16xf32>,
      }
      %scan3A_102 = arith.constant 256 : i32
      %mul3A_103 = arith.constant 256 : i32
      %mul3A_104 = arith.muli %add3A_75, %mul3A_103 : i32
      %add3A_105 = arith.addi %mul3A_2, %mul3A_104 : i32
      %dma_start3A_106 = arith.constant 0 : i32
      %dma_start3A_107 = tpu.memref_slice %arg4[%add3A_105, %dma_start3A_106] : memref<819200x64xf32, #tpu.memory_space<hbm>> -> memref<256x64xf32, #tpu.memory_space<hbm>>
      %dma_start3A_108 = arith.constant 0 : i32
      %dma_start3A_109 = tpu.memref_slice %arg4[%add3A_105, %dma_start3A_108] : memref<819200x64xf32, #tpu.memory_space<hbm>> -> memref<256x64xf32, #tpu.memory_space<hbm>>
      tpu.enqueue_dma source(%arg7 : memref<256x64xf32, #tpu.memory_space<vmem>>) target(%dma_start3A_109 : memref<256x64xf32, #tpu.memory_space<hbm>>) target_semaphore(%arg15 : memref<!tpu.dma_semaphore, #tpu.memory_space<semaphore_mem>>)
      %add3A_110 = arith.constant 2 : i32
      %add3A_111 = arith.addi %mul3A_42, %add3A_110 : i32
      %add3A_112 = arith.constant 2 : i32
      %add3A_113 = arith.addi %add3A_111, %add3A_112 : i32
      %lt3A_114 = arith.constant 100 : i32
      %lt3A_115 = arith.cmpi slt, %add3A_113, %lt3A_114 : i32
      %ge3A_116 = arith.constant 4 : i32
      %ge3A_117 = arith.cmpi sge, %add3A_113, %ge3A_116 : i32
      %and3A_118 = arith.andi %lt3A_115, %ge3A_117 : i1
      %convert_element_type3A_119 = arith.extui %and3A_118 : i1 to i32
      %cond3A_120 = arith.constant 0 : i32
      %cond3A_121 = arith.cmpi ne, %convert_element_type3A_119, %cond3A_120 : i32
      scf.if %cond3A_121 {
        %sub3A = arith.constant 4 : i32
        %sub3A_182 = arith.subi %add3A_113, %sub3A : i32
        %mul3A_183 = arith.constant 256 : i32
        %mul3A_184 = arith.muli %sub3A_182, %mul3A_183 : i32
        %add3A_185 = arith.addi %mul3A_2, %mul3A_184 : i32
        %dma_wait3A_186 = arith.constant 0 : i32
        %dma_wait3A_187 = tpu.memref_slice %arg4[%add3A_185, %dma_wait3A_186] : memref<819200x64xf32, #tpu.memory_space<hbm>> -> memref<256x64xf32, #tpu.memory_space<hbm>>
        %dma_wait3A_188 = arith.constant 0 : i32
        %dma_wait3A_189 = tpu.memref_slice %arg4[%add3A_185, %dma_wait3A_188] : memref<819200x64xf32, #tpu.memory_space<hbm>> -> memref<256x64xf32, #tpu.memory_space<hbm>>
        tpu.wait_dma2 semaphore(%arg14 : memref<!tpu.dma_semaphore, #tpu.memory_space<semaphore_mem>>) src(%arg6 : memref<256x64xf32, #tpu.memory_space<vmem>>) dst(%dma_wait3A_189 : memref<256x64xf32, #tpu.memory_space<hbm>>)
      } else {
      }
      %lt3A_122 = arith.constant 100 : i32
      %lt3A_123 = arith.cmpi slt, %add3A_113, %lt3A_122 : i32
      %convert_element_type3A_124 = arith.extui %lt3A_123 : i1 to i32
      %cond3A_125 = arith.constant 0 : i32
      %cond3A_126 = arith.cmpi ne, %convert_element_type3A_124, %cond3A_125 : i32
      scf.if %cond3A_126 {
        %mul3A_182 = arith.constant 256 : i32
        %mul3A_183 = arith.muli %add3A_113, %mul3A_182 : i32
        %dma_start3A_184 = tpu.memref_slice %arg5[%mul3A_183] : memref<25600xi32, #tpu.memory_space<vmem>> -> memref<256xi32, #tpu.memory_space<vmem>>
        %dma_start3A_185 = arith.constant 0 : i32
        %dma_start3A_186 = arith.constant 0 : i32
        %dma_start3A_187 = tpu.memref_slice %arg3[%dma_start3A_185, %dma_start3A_186] : memref<1000000x64xf32, #tpu.memory_space<hbm>> -> memref<1000000x64xf32, #tpu.memory_space<hbm>>
        tpu.enqueue_indirect_dma source(%dma_start3A_187 : memref<1000000x64xf32, #tpu.memory_space<hbm>>) target(%arg6 : memref<256x64xf32, #tpu.memory_space<vmem>>) offsets(%dma_start3A_184 : memref<256xi32, #tpu.memory_space<vmem>>) semaphore(%arg10 : memref<!tpu.dma_semaphore, #tpu.memory_space<semaphore_mem>>)
      } else {
      }
      %mul3A_127 = arith.constant 256 : i32
      %mul3A_128 = arith.muli %add3A_111, %mul3A_127 : i32
      %dma_wait3A_129 = tpu.memref_slice %arg5[%mul3A_128] : memref<25600xi32, #tpu.memory_space<vmem>> -> memref<256xi32, #tpu.memory_space<vmem>>
      %dma_wait3A_130 = arith.constant 0 : i32
      %dma_wait3A_131 = arith.constant 0 : i32
      %dma_wait3A_132 = tpu.memref_slice %arg3[%dma_wait3A_130, %dma_wait3A_131] : memref<1000000x64xf32, #tpu.memory_space<hbm>> -> memref<1000000x64xf32, #tpu.memory_space<hbm>>
      tpu.wait_indirect_dma semaphore(%arg12 : memref<!tpu.dma_semaphore, #tpu.memory_space<semaphore_mem>>) src(%dma_wait3A_132 : memref<1000000x64xf32, #tpu.memory_space<hbm>>) dst(%arg8 : memref<256x64xf32, #tpu.memory_space<vmem>>)
      %scan3A_133 = arith.constant 0 : i32
      %scan3A_134 = arith.constant 0 : i32
      %scan3A_135 = arith.constant 256 : i32
      %scan3A_136 = arith.addi %scan3A_134, %scan3A_135 : i32
      %scan3A_137 = arith.constant 8 : i32
      scf.for %scan3A_182 = %scan3A_134 to %scan3A_136 step %scan3A_137  : i32 {
        %get3A = arith.index_cast %scan3A_182 : i32 to index
        %get3A_183 = arith.constant 0 : index
        %get3A_184 = tpu.vector_load %arg8[%get3A, %get3A_183] {strides = array<i32>} : memref<256x64xf32, #tpu.memory_space<vmem>>, vector<16xf32>,
        %mul3A_185 = arith.constant 8.000000e+00 : f32
        %mul3A_186 = vector.broadcast %mul3A_185 : f32 to vector<16xf32>
        %mul3A_187 = arith.mulf %get3A_184, %mul3A_186 : vector<16xf32>
        %swap3A = arith.index_cast %scan3A_182 : i32 to index
        %swap3A_188 = arith.constant 0 : index
        %swap3A_189 = tpu.vector_load %arg8[%swap3A, %swap3A_188] {strides = array<i32>} : memref<256x64xf32, #tpu.memory_space<vmem>>, vector<16xf32>,
        tpu.vector_store %arg8[%swap3A, %swap3A_188], %mul3A_187 {strides = array<i32>} : memref<256x64xf32, #tpu.memory_space<vmem>>, vector<16xf32>,
        %get3A_190 = arith.index_cast %scan3A_182 : i32 to index
        %get3A_191 = arith.constant 16 : index
        %get3A_192 = tpu.vector_load %arg8[%get3A_190, %get3A_191] {strides = array<i32>} : memref<256x64xf32, #tpu.memory_space<vmem>>, vector<16xf32>,
        %mul3A_193 = arith.constant 8.000000e+00 : f32
        %mul3A_194 = vector.broadcast %mul3A_193 : f32 to vector<16xf32>
        %mul3A_195 = arith.mulf %get3A_192, %mul3A_194 : vector<16xf32>
        %swap3A_196 = arith.index_cast %scan3A_182 : i32 to index
        %swap3A_197 = arith.constant 16 : index
        %swap3A_198 = tpu.vector_load %arg8[%swap3A_196, %swap3A_197] {strides = array<i32>} : memref<256x64xf32, #tpu.memory_space<vmem>>, vector<16xf32>,
        tpu.vector_store %arg8[%swap3A_196, %swap3A_197], %mul3A_195 {strides = array<i32>} : memref<256x64xf32, #tpu.memory_space<vmem>>, vector<16xf32>,
        %get3A_199 = arith.index_cast %scan3A_182 : i32 to index
        %get3A_200 = arith.constant 32 : index
        %get3A_201 = tpu.vector_load %arg8[%get3A_199, %get3A_200] {strides = array<i32>} : memref<256x64xf32, #tpu.memory_space<vmem>>, vector<16xf32>,
        %mul3A_202 = arith.constant 8.000000e+00 : f32
        %mul3A_203 = vector.broadcast %mul3A_202 : f32 to vector<16xf32>
        %mul3A_204 = arith.mulf %get3A_201, %mul3A_203 : vector<16xf32>
        %swap3A_205 = arith.index_cast %scan3A_182 : i32 to index
        %swap3A_206 = arith.constant 32 : index
        %swap3A_207 = tpu.vector_load %arg8[%swap3A_205, %swap3A_206] {strides = array<i32>} : memref<256x64xf32, #tpu.memory_space<vmem>>, vector<16xf32>,
        tpu.vector_store %arg8[%swap3A_205, %swap3A_206], %mul3A_204 {strides = array<i32>} : memref<256x64xf32, #tpu.memory_space<vmem>>, vector<16xf32>,
        %get3A_208 = arith.index_cast %scan3A_182 : i32 to index
        %get3A_209 = arith.constant 48 : index
        %get3A_210 = tpu.vector_load %arg8[%get3A_208, %get3A_209] {strides = array<i32>} : memref<256x64xf32, #tpu.memory_space<vmem>>, vector<16xf32>,
        %mul3A_211 = arith.constant 8.000000e+00 : f32
        %mul3A_212 = vector.broadcast %mul3A_211 : f32 to vector<16xf32>
        %mul3A_213 = arith.mulf %get3A_210, %mul3A_212 : vector<16xf32>
        %swap3A_214 = arith.index_cast %scan3A_182 : i32 to index
        %swap3A_215 = arith.constant 48 : index
        %swap3A_216 = tpu.vector_load %arg8[%swap3A_214, %swap3A_215] {strides = array<i32>} : memref<256x64xf32, #tpu.memory_space<vmem>>, vector<16xf32>,
        tpu.vector_store %arg8[%swap3A_214, %swap3A_215], %mul3A_213 {strides = array<i32>} : memref<256x64xf32, #tpu.memory_space<vmem>>, vector<16xf32>,
        %scan3A_217 = arith.constant 1 : i32
        %scan3A_218 = arith.addi %scan3A_182, %scan3A_217 : i32
        %get3A_219 = arith.index_cast %scan3A_218 : i32 to index
        %get3A_220 = arith.constant 0 : index
        %get3A_221 = tpu.vector_load %arg8[%get3A_219, %get3A_220] {strides = array<i32>} : memref<256x64xf32, #tpu.memory_space<vmem>>, vector<16xf32>,
        %mul3A_222 = arith.constant 8.000000e+00 : f32
        %mul3A_223 = vector.broadcast %mul3A_222 : f32 to vector<16xf32>
        %mul3A_224 = arith.mulf %get3A_221, %mul3A_223 : vector<16xf32>
        %swap3A_225 = arith.index_cast %scan3A_218 : i32 to index
        %swap3A_226 = arith.constant 0 : index
        %swap3A_227 = tpu.vector_load %arg8[%swap3A_225, %swap3A_226] {strides = array<i32>} : memref<256x64xf32, #tpu.memory_space<vmem>>, vector<16xf32>,
        tpu.vector_store %arg8[%swap3A_225, %swap3A_226], %mul3A_224 {strides = array<i32>} : memref<256x64xf32, #tpu.memory_space<vmem>>, vector<16xf32>,
        %get3A_228 = arith.index_cast %scan3A_218 : i32 to index
        %get3A_229 = arith.constant 16 : index
        %get3A_230 = tpu.vector_load %arg8[%get3A_228, %get3A_229] {strides = array<i32>} : memref<256x64xf32, #tpu.memory_space<vmem>>, vector<16xf32>,
        %mul3A_231 = arith.constant 8.000000e+00 : f32
        %mul3A_232 = vector.broadcast %mul3A_231 : f32 to vector<16xf32>
        %mul3A_233 = arith.mulf %get3A_230, %mul3A_232 : vector<16xf32>
        %swap3A_234 = arith.index_cast %scan3A_218 : i32 to index
        %swap3A_235 = arith.constant 16 : index
        %swap3A_236 = tpu.vector_load %arg8[%swap3A_234, %swap3A_235] {strides = array<i32>} : memref<256x64xf32, #tpu.memory_space<vmem>>, vector<16xf32>,
        tpu.vector_store %arg8[%swap3A_234, %swap3A_235], %mul3A_233 {strides = array<i32>} : memref<256x64xf32, #tpu.memory_space<vmem>>, vector<16xf32>,
        %get3A_237 = arith.index_cast %scan3A_218 : i32 to index
        %get3A_238 = arith.constant 32 : index
        %get3A_239 = tpu.vector_load %arg8[%get3A_237, %get3A_238] {strides = array<i32>} : memref<256x64xf32, #tpu.memory_space<vmem>>, vector<16xf32>,
        %mul3A_240 = arith.constant 8.000000e+00 : f32
        %mul3A_241 = vector.broadcast %mul3A_240 : f32 to vector<16xf32>
        %mul3A_242 = arith.mulf %get3A_239, %mul3A_241 : vector<16xf32>
        %swap3A_243 = arith.index_cast %scan3A_218 : i32 to index
        %swap3A_244 = arith.constant 32 : index
        %swap3A_245 = tpu.vector_load %arg8[%swap3A_243, %swap3A_244] {strides = array<i32>} : memref<256x64xf32, #tpu.memory_space<vmem>>, vector<16xf32>,
        tpu.vector_store %arg8[%swap3A_243, %swap3A_244], %mul3A_242 {strides = array<i32>} : memref<256x64xf32, #tpu.memory_space<vmem>>, vector<16xf32>,
        %get3A_246 = arith.index_cast %scan3A_218 : i32 to index
        %get3A_247 = arith.constant 48 : index
        %get3A_248 = tpu.vector_load %arg8[%get3A_246, %get3A_247] {strides = array<i32>} : memref<256x64xf32, #tpu.memory_space<vmem>>, vector<16xf32>,
        %mul3A_249 = arith.constant 8.000000e+00 : f32
        %mul3A_250 = vector.broadcast %mul3A_249 : f32 to vector<16xf32>
        %mul3A_251 = arith.mulf %get3A_248, %mul3A_250 : vector<16xf32>
        %swap3A_252 = arith.index_cast %scan3A_218 : i32 to index
        %swap3A_253 = arith.constant 48 : index
        %swap3A_254 = tpu.vector_load %arg8[%swap3A_252, %swap3A_253] {strides = array<i32>} : memref<256x64xf32, #tpu.memory_space<vmem>>, vector<16xf32>,
        tpu.vector_store %arg8[%swap3A_252, %swap3A_253], %mul3A_251 {strides = array<i32>} : memref<256x64xf32, #tpu.memory_space<vmem>>, vector<16xf32>,
        %scan3A_255 = arith.constant 2 : i32
        %scan3A_256 = arith.addi %scan3A_182, %scan3A_255 : i32
        %get3A_257 = arith.index_cast %scan3A_256 : i32 to index
        %get3A_258 = arith.constant 0 : index
        %get3A_259 = tpu.vector_load %arg8[%get3A_257, %get3A_258] {strides = array<i32>} : memref<256x64xf32, #tpu.memory_space<vmem>>, vector<16xf32>,
        %mul3A_260 = arith.constant 8.000000e+00 : f32
        %mul3A_261 = vector.broadcast %mul3A_260 : f32 to vector<16xf32>
        %mul3A_262 = arith.mulf %get3A_259, %mul3A_261 : vector<16xf32>
        %swap3A_263 = arith.index_cast %scan3A_256 : i32 to index
        %swap3A_264 = arith.constant 0 : index
        %swap3A_265 = tpu.vector_load %arg8[%swap3A_263, %swap3A_264] {strides = array<i32>} : memref<256x64xf32, #tpu.memory_space<vmem>>, vector<16xf32>,
        tpu.vector_store %arg8[%swap3A_263, %swap3A_264], %mul3A_262 {strides = array<i32>} : memref<256x64xf32, #tpu.memory_space<vmem>>, vector<16xf32>,
        %get3A_266 = arith.index_cast %scan3A_256 : i32 to index
        %get3A_267 = arith.constant 16 : index
        %get3A_268 = tpu.vector_load %arg8[%get3A_266, %get3A_267] {strides = array<i32>} : memref<256x64xf32, #tpu.memory_space<vmem>>, vector<16xf32>,
        %mul3A_269 = arith.constant 8.000000e+00 : f32
        %mul3A_270 = vector.broadcast %mul3A_269 : f32 to vector<16xf32>
        %mul3A_271 = arith.mulf %get3A_268, %mul3A_270 : vector<16xf32>
        %swap3A_272 = arith.index_cast %scan3A_256 : i32 to index
        %swap3A_273 = arith.constant 16 : index
        %swap3A_274 = tpu.vector_load %arg8[%swap3A_272, %swap3A_273] {strides = array<i32>} : memref<256x64xf32, #tpu.memory_space<vmem>>, vector<16xf32>,
        tpu.vector_store %arg8[%swap3A_272, %swap3A_273], %mul3A_271 {strides = array<i32>} : memref<256x64xf32, #tpu.memory_space<vmem>>, vector<16xf32>,
        %get3A_275 = arith.index_cast %scan3A_256 : i32 to index
        %get3A_276 = arith.constant 32 : index
        %get3A_277 = tpu.vector_load %arg8[%get3A_275, %get3A_276] {strides = array<i32>} : memref<256x64xf32, #tpu.memory_space<vmem>>, vector<16xf32>,
        %mul3A_278 = arith.constant 8.000000e+00 : f32
        %mul3A_279 = vector.broadcast %mul3A_278 : f32 to vector<16xf32>
        %mul3A_280 = arith.mulf %get3A_277, %mul3A_279 : vector<16xf32>
        %swap3A_281 = arith.index_cast %scan3A_256 : i32 to index
        %swap3A_282 = arith.constant 32 : index
        %swap3A_283 = tpu.vector_load %arg8[%swap3A_281, %swap3A_282] {strides = array<i32>} : memref<256x64xf32, #tpu.memory_space<vmem>>, vector<16xf32>,
        tpu.vector_store %arg8[%swap3A_281, %swap3A_282], %mul3A_280 {strides = array<i32>} : memref<256x64xf32, #tpu.memory_space<vmem>>, vector<16xf32>,
        %get3A_284 = arith.index_cast %scan3A_256 : i32 to index
        %get3A_285 = arith.constant 48 : index
        %get3A_286 = tpu.vector_load %arg8[%get3A_284, %get3A_285] {strides = array<i32>} : memref<256x64xf32, #tpu.memory_space<vmem>>, vector<16xf32>,
        %mul3A_287 = arith.constant 8.000000e+00 : f32
        %mul3A_288 = vector.broadcast %mul3A_287 : f32 to vector<16xf32>
        %mul3A_289 = arith.mulf %get3A_286, %mul3A_288 : vector<16xf32>
        %swap3A_290 = arith.index_cast %scan3A_256 : i32 to index
        %swap3A_291 = arith.constant 48 : index
        %swap3A_292 = tpu.vector_load %arg8[%swap3A_290, %swap3A_291] {strides = array<i32>} : memref<256x64xf32, #tpu.memory_space<vmem>>, vector<16xf32>,
        tpu.vector_store %arg8[%swap3A_290, %swap3A_291], %mul3A_289 {strides = array<i32>} : memref<256x64xf32, #tpu.memory_space<vmem>>, vector<16xf32>,
        %scan3A_293 = arith.constant 3 : i32
        %scan3A_294 = arith.addi %scan3A_182, %scan3A_293 : i32
        %get3A_295 = arith.index_cast %scan3A_294 : i32 to index
        %get3A_296 = arith.constant 0 : index
        %get3A_297 = tpu.vector_load %arg8[%get3A_295, %get3A_296] {strides = array<i32>} : memref<256x64xf32, #tpu.memory_space<vmem>>, vector<16xf32>,
        %mul3A_298 = arith.constant 8.000000e+00 : f32
        %mul3A_299 = vector.broadcast %mul3A_298 : f32 to vector<16xf32>
        %mul3A_300 = arith.mulf %get3A_297, %mul3A_299 : vector<16xf32>
        %swap3A_301 = arith.index_cast %scan3A_294 : i32 to index
        %swap3A_302 = arith.constant 0 : index
        %swap3A_303 = tpu.vector_load %arg8[%swap3A_301, %swap3A_302] {strides = array<i32>} : memref<256x64xf32, #tpu.memory_space<vmem>>, vector<16xf32>,
        tpu.vector_store %arg8[%swap3A_301, %swap3A_302], %mul3A_300 {strides = array<i32>} : memref<256x64xf32, #tpu.memory_space<vmem>>, vector<16xf32>,
        %get3A_304 = arith.index_cast %scan3A_294 : i32 to index
        %get3A_305 = arith.constant 16 : index
        %get3A_306 = tpu.vector_load %arg8[%get3A_304, %get3A_305] {strides = array<i32>} : memref<256x64xf32, #tpu.memory_space<vmem>>, vector<16xf32>,
        %mul3A_307 = arith.constant 8.000000e+00 : f32
        %mul3A_308 = vector.broadcast %mul3A_307 : f32 to vector<16xf32>
        %mul3A_309 = arith.mulf %get3A_306, %mul3A_308 : vector<16xf32>
        %swap3A_310 = arith.index_cast %scan3A_294 : i32 to index
        %swap3A_311 = arith.constant 16 : index
        %swap3A_312 = tpu.vector_load %arg8[%swap3A_310, %swap3A_311] {strides = array<i32>} : memref<256x64xf32, #tpu.memory_space<vmem>>, vector<16xf32>,
        tpu.vector_store %arg8[%swap3A_310, %swap3A_311], %mul3A_309 {strides = array<i32>} : memref<256x64xf32, #tpu.memory_space<vmem>>, vector<16xf32>,
        %get3A_313 = arith.index_cast %scan3A_294 : i32 to index
        %get3A_314 = arith.constant 32 : index
        %get3A_315 = tpu.vector_load %arg8[%get3A_313, %get3A_314] {strides = array<i32>} : memref<256x64xf32, #tpu.memory_space<vmem>>, vector<16xf32>,
        %mul3A_316 = arith.constant 8.000000e+00 : f32
        %mul3A_317 = vector.broadcast %mul3A_316 : f32 to vector<16xf32>
        %mul3A_318 = arith.mulf %get3A_315, %mul3A_317 : vector<16xf32>
        %swap3A_319 = arith.index_cast %scan3A_294 : i32 to index
        %swap3A_320 = arith.constant 32 : index
        %swap3A_321 = tpu.vector_load %arg8[%swap3A_319, %swap3A_320] {strides = array<i32>} : memref<256x64xf32, #tpu.memory_space<vmem>>, vector<16xf32>,
        tpu.vector_store %arg8[%swap3A_319, %swap3A_320], %mul3A_318 {strides = array<i32>} : memref<256x64xf32, #tpu.memory_space<vmem>>, vector<16xf32>,
        %get3A_322 = arith.index_cast %scan3A_294 : i32 to index
        %get3A_323 = arith.constant 48 : index
        %get3A_324 = tpu.vector_load %arg8[%get3A_322, %get3A_323] {strides = array<i32>} : memref<256x64xf32, #tpu.memory_space<vmem>>, vector<16xf32>,
        %mul3A_325 = arith.constant 8.000000e+00 : f32
        %mul3A_326 = vector.broadcast %mul3A_325 : f32 to vector<16xf32>
        %mul3A_327 = arith.mulf %get3A_324, %mul3A_326 : vector<16xf32>
        %swap3A_328 = arith.index_cast %scan3A_294 : i32 to index
        %swap3A_329 = arith.constant 48 : index
        %swap3A_330 = tpu.vector_load %arg8[%swap3A_328, %swap3A_329] {strides = array<i32>} : memref<256x64xf32, #tpu.memory_space<vmem>>, vector<16xf32>,
        tpu.vector_store %arg8[%swap3A_328, %swap3A_329], %mul3A_327 {strides = array<i32>} : memref<256x64xf32, #tpu.memory_space<vmem>>, vector<16xf32>,
        %scan3A_331 = arith.constant 4 : i32
        %scan3A_332 = arith.addi %scan3A_182, %scan3A_331 : i32
        %get3A_333 = arith.index_cast %scan3A_332 : i32 to index
        %get3A_334 = arith.constant 0 : index
        %get3A_335 = tpu.vector_load %arg8[%get3A_333, %get3A_334] {strides = array<i32>} : memref<256x64xf32, #tpu.memory_space<vmem>>, vector<16xf32>,
        %mul3A_336 = arith.constant 8.000000e+00 : f32
        %mul3A_337 = vector.broadcast %mul3A_336 : f32 to vector<16xf32>
        %mul3A_338 = arith.mulf %get3A_335, %mul3A_337 : vector<16xf32>
        %swap3A_339 = arith.index_cast %scan3A_332 : i32 to index
        %swap3A_340 = arith.constant 0 : index
        %swap3A_341 = tpu.vector_load %arg8[%swap3A_339, %swap3A_340] {strides = array<i32>} : memref<256x64xf32, #tpu.memory_space<vmem>>, vector<16xf32>,
        tpu.vector_store %arg8[%swap3A_339, %swap3A_340], %mul3A_338 {strides = array<i32>} : memref<256x64xf32, #tpu.memory_space<vmem>>, vector<16xf32>,
        %get3A_342 = arith.index_cast %scan3A_332 : i32 to index
        %get3A_343 = arith.constant 16 : index
        %get3A_344 = tpu.vector_load %arg8[%get3A_342, %get3A_343] {strides = array<i32>} : memref<256x64xf32, #tpu.memory_space<vmem>>, vector<16xf32>,
        %mul3A_345 = arith.constant 8.000000e+00 : f32
        %mul3A_346 = vector.broadcast %mul3A_345 : f32 to vector<16xf32>
        %mul3A_347 = arith.mulf %get3A_344, %mul3A_346 : vector<16xf32>
        %swap3A_348 = arith.index_cast %scan3A_332 : i32 to index
        %swap3A_349 = arith.constant 16 : index
        %swap3A_350 = tpu.vector_load %arg8[%swap3A_348, %swap3A_349] {strides = array<i32>} : memref<256x64xf32, #tpu.memory_space<vmem>>, vector<16xf32>,
        tpu.vector_store %arg8[%swap3A_348, %swap3A_349], %mul3A_347 {strides = array<i32>} : memref<256x64xf32, #tpu.memory_space<vmem>>, vector<16xf32>,
        %get3A_351 = arith.index_cast %scan3A_332 : i32 to index
        %get3A_352 = arith.constant 32 : index
        %get3A_353 = tpu.vector_load %arg8[%get3A_351, %get3A_352] {strides = array<i32>} : memref<256x64xf32, #tpu.memory_space<vmem>>, vector<16xf32>,
        %mul3A_354 = arith.constant 8.000000e+00 : f32
        %mul3A_355 = vector.broadcast %mul3A_354 : f32 to vector<16xf32>
        %mul3A_356 = arith.mulf %get3A_353, %mul3A_355 : vector<16xf32>
        %swap3A_357 = arith.index_cast %scan3A_332 : i32 to index
        %swap3A_358 = arith.constant 32 : index
        %swap3A_359 = tpu.vector_load %arg8[%swap3A_357, %swap3A_358] {strides = array<i32>} : memref<256x64xf32, #tpu.memory_space<vmem>>, vector<16xf32>,
        tpu.vector_store %arg8[%swap3A_357, %swap3A_358], %mul3A_356 {strides = array<i32>} : memref<256x64xf32, #tpu.memory_space<vmem>>, vector<16xf32>,
        %get3A_360 = arith.index_cast %scan3A_332 : i32 to index
        %get3A_361 = arith.constant 48 : index
        %get3A_362 = tpu.vector_load %arg8[%get3A_360, %get3A_361] {strides = array<i32>} : memref<256x64xf32, #tpu.memory_space<vmem>>, vector<16xf32>,
        %mul3A_363 = arith.constant 8.000000e+00 : f32
        %mul3A_364 = vector.broadcast %mul3A_363 : f32 to vector<16xf32>
        %mul3A_365 = arith.mulf %get3A_362, %mul3A_364 : vector<16xf32>
        %swap3A_366 = arith.index_cast %scan3A_332 : i32 to index
        %swap3A_367 = arith.constant 48 : index
        %swap3A_368 = tpu.vector_load %arg8[%swap3A_366, %swap3A_367] {strides = array<i32>} : memref<256x64xf32, #tpu.memory_space<vmem>>, vector<16xf32>,
        tpu.vector_store %arg8[%swap3A_366, %swap3A_367], %mul3A_365 {strides = array<i32>} : memref<256x64xf32, #tpu.memory_space<vmem>>, vector<16xf32>,
        %scan3A_369 = arith.constant 5 : i32
        %scan3A_370 = arith.addi %scan3A_182, %scan3A_369 : i32
        %get3A_371 = arith.index_cast %scan3A_370 : i32 to index
        %get3A_372 = arith.constant 0 : index
        %get3A_373 = tpu.vector_load %arg8[%get3A_371, %get3A_372] {strides = array<i32>} : memref<256x64xf32, #tpu.memory_space<vmem>>, vector<16xf32>,
        %mul3A_374 = arith.constant 8.000000e+00 : f32
        %mul3A_375 = vector.broadcast %mul3A_374 : f32 to vector<16xf32>
        %mul3A_376 = arith.mulf %get3A_373, %mul3A_375 : vector<16xf32>
        %swap3A_377 = arith.index_cast %scan3A_370 : i32 to index
        %swap3A_378 = arith.constant 0 : index
        %swap3A_379 = tpu.vector_load %arg8[%swap3A_377, %swap3A_378] {strides = array<i32>} : memref<256x64xf32, #tpu.memory_space<vmem>>, vector<16xf32>,
        tpu.vector_store %arg8[%swap3A_377, %swap3A_378], %mul3A_376 {strides = array<i32>} : memref<256x64xf32, #tpu.memory_space<vmem>>, vector<16xf32>,
        %get3A_380 = arith.index_cast %scan3A_370 : i32 to index
        %get3A_381 = arith.constant 16 : index
        %get3A_382 = tpu.vector_load %arg8[%get3A_380, %get3A_381] {strides = array<i32>} : memref<256x64xf32, #tpu.memory_space<vmem>>, vector<16xf32>,
        %mul3A_383 = arith.constant 8.000000e+00 : f32
        %mul3A_384 = vector.broadcast %mul3A_383 : f32 to vector<16xf32>
        %mul3A_385 = arith.mulf %get3A_382, %mul3A_384 : vector<16xf32>
        %swap3A_386 = arith.index_cast %scan3A_370 : i32 to index
        %swap3A_387 = arith.constant 16 : index
        %swap3A_388 = tpu.vector_load %arg8[%swap3A_386, %swap3A_387] {strides = array<i32>} : memref<256x64xf32, #tpu.memory_space<vmem>>, vector<16xf32>,
        tpu.vector_store %arg8[%swap3A_386, %swap3A_387], %mul3A_385 {strides = array<i32>} : memref<256x64xf32, #tpu.memory_space<vmem>>, vector<16xf32>,
        %get3A_389 = arith.index_cast %scan3A_370 : i32 to index
        %get3A_390 = arith.constant 32 : index
        %get3A_391 = tpu.vector_load %arg8[%get3A_389, %get3A_390] {strides = array<i32>} : memref<256x64xf32, #tpu.memory_space<vmem>>, vector<16xf32>,
        %mul3A_392 = arith.constant 8.000000e+00 : f32
        %mul3A_393 = vector.broadcast %mul3A_392 : f32 to vector<16xf32>
        %mul3A_394 = arith.mulf %get3A_391, %mul3A_393 : vector<16xf32>
        %swap3A_395 = arith.index_cast %scan3A_370 : i32 to index
        %swap3A_396 = arith.constant 32 : index
        %swap3A_397 = tpu.vector_load %arg8[%swap3A_395, %swap3A_396] {strides = array<i32>} : memref<256x64xf32, #tpu.memory_space<vmem>>, vector<16xf32>,
        tpu.vector_store %arg8[%swap3A_395, %swap3A_396], %mul3A_394 {strides = array<i32>} : memref<256x64xf32, #tpu.memory_space<vmem>>, vector<16xf32>,
        %get3A_398 = arith.index_cast %scan3A_370 : i32 to index
        %get3A_399 = arith.constant 48 : index
        %get3A_400 = tpu.vector_load %arg8[%get3A_398, %get3A_399] {strides = array<i32>} : memref<256x64xf32, #tpu.memory_space<vmem>>, vector<16xf32>,
        %mul3A_401 = arith.constant 8.000000e+00 : f32
        %mul3A_402 = vector.broadcast %mul3A_401 : f32 to vector<16xf32>
        %mul3A_403 = arith.mulf %get3A_400, %mul3A_402 : vector<16xf32>
        %swap3A_404 = arith.index_cast %scan3A_370 : i32 to index
        %swap3A_405 = arith.constant 48 : index
        %swap3A_406 = tpu.vector_load %arg8[%swap3A_404, %swap3A_405] {strides = array<i32>} : memref<256x64xf32, #tpu.memory_space<vmem>>, vector<16xf32>,
        tpu.vector_store %arg8[%swap3A_404, %swap3A_405], %mul3A_403 {strides = array<i32>} : memref<256x64xf32, #tpu.memory_space<vmem>>, vector<16xf32>,
        %scan3A_407 = arith.constant 6 : i32
        %scan3A_408 = arith.addi %scan3A_182, %scan3A_407 : i32
        %get3A_409 = arith.index_cast %scan3A_408 : i32 to index
        %get3A_410 = arith.constant 0 : index
        %get3A_411 = tpu.vector_load %arg8[%get3A_409, %get3A_410] {strides = array<i32>} : memref<256x64xf32, #tpu.memory_space<vmem>>, vector<16xf32>,
        %mul3A_412 = arith.constant 8.000000e+00 : f32
        %mul3A_413 = vector.broadcast %mul3A_412 : f32 to vector<16xf32>
        %mul3A_414 = arith.mulf %get3A_411, %mul3A_413 : vector<16xf32>
        %swap3A_415 = arith.index_cast %scan3A_408 : i32 to index
        %swap3A_416 = arith.constant 0 : index
        %swap3A_417 = tpu.vector_load %arg8[%swap3A_415, %swap3A_416] {strides = array<i32>} : memref<256x64xf32, #tpu.memory_space<vmem>>, vector<16xf32>,
        tpu.vector_store %arg8[%swap3A_415, %swap3A_416], %mul3A_414 {strides = array<i32>} : memref<256x64xf32, #tpu.memory_space<vmem>>, vector<16xf32>,
        %get3A_418 = arith.index_cast %scan3A_408 : i32 to index
        %get3A_419 = arith.constant 16 : index
        %get3A_420 = tpu.vector_load %arg8[%get3A_418, %get3A_419] {strides = array<i32>} : memref<256x64xf32, #tpu.memory_space<vmem>>, vector<16xf32>,
        %mul3A_421 = arith.constant 8.000000e+00 : f32
        %mul3A_422 = vector.broadcast %mul3A_421 : f32 to vector<16xf32>
        %mul3A_423 = arith.mulf %get3A_420, %mul3A_422 : vector<16xf32>
        %swap3A_424 = arith.index_cast %scan3A_408 : i32 to index
        %swap3A_425 = arith.constant 16 : index
        %swap3A_426 = tpu.vector_load %arg8[%swap3A_424, %swap3A_425] {strides = array<i32>} : memref<256x64xf32, #tpu.memory_space<vmem>>, vector<16xf32>,
        tpu.vector_store %arg8[%swap3A_424, %swap3A_425], %mul3A_423 {strides = array<i32>} : memref<256x64xf32, #tpu.memory_space<vmem>>, vector<16xf32>,
        %get3A_427 = arith.index_cast %scan3A_408 : i32 to index
        %get3A_428 = arith.constant 32 : index
        %get3A_429 = tpu.vector_load %arg8[%get3A_427, %get3A_428] {strides = array<i32>} : memref<256x64xf32, #tpu.memory_space<vmem>>, vector<16xf32>,
        %mul3A_430 = arith.constant 8.000000e+00 : f32
        %mul3A_431 = vector.broadcast %mul3A_430 : f32 to vector<16xf32>
        %mul3A_432 = arith.mulf %get3A_429, %mul3A_431 : vector<16xf32>
        %swap3A_433 = arith.index_cast %scan3A_408 : i32 to index
        %swap3A_434 = arith.constant 32 : index
        %swap3A_435 = tpu.vector_load %arg8[%swap3A_433, %swap3A_434] {strides = array<i32>} : memref<256x64xf32, #tpu.memory_space<vmem>>, vector<16xf32>,
        tpu.vector_store %arg8[%swap3A_433, %swap3A_434], %mul3A_432 {strides = array<i32>} : memref<256x64xf32, #tpu.memory_space<vmem>>, vector<16xf32>,
        %get3A_436 = arith.index_cast %scan3A_408 : i32 to index
        %get3A_437 = arith.constant 48 : index
        %get3A_438 = tpu.vector_load %arg8[%get3A_436, %get3A_437] {strides = array<i32>} : memref<256x64xf32, #tpu.memory_space<vmem>>, vector<16xf32>,
        %mul3A_439 = arith.constant 8.000000e+00 : f32
        %mul3A_440 = vector.broadcast %mul3A_439 : f32 to vector<16xf32>
        %mul3A_441 = arith.mulf %get3A_438, %mul3A_440 : vector<16xf32>
        %swap3A_442 = arith.index_cast %scan3A_408 : i32 to index
        %swap3A_443 = arith.constant 48 : index
        %swap3A_444 = tpu.vector_load %arg8[%swap3A_442, %swap3A_443] {strides = array<i32>} : memref<256x64xf32, #tpu.memory_space<vmem>>, vector<16xf32>,
        tpu.vector_store %arg8[%swap3A_442, %swap3A_443], %mul3A_441 {strides = array<i32>} : memref<256x64xf32, #tpu.memory_space<vmem>>, vector<16xf32>,
        %scan3A_445 = arith.constant 7 : i32
        %scan3A_446 = arith.addi %scan3A_182, %scan3A_445 : i32
        %get3A_447 = arith.index_cast %scan3A_446 : i32 to index
        %get3A_448 = arith.constant 0 : index
        %get3A_449 = tpu.vector_load %arg8[%get3A_447, %get3A_448] {strides = array<i32>} : memref<256x64xf32, #tpu.memory_space<vmem>>, vector<16xf32>,
        %mul3A_450 = arith.constant 8.000000e+00 : f32
        %mul3A_451 = vector.broadcast %mul3A_450 : f32 to vector<16xf32>
        %mul3A_452 = arith.mulf %get3A_449, %mul3A_451 : vector<16xf32>
        %swap3A_453 = arith.index_cast %scan3A_446 : i32 to index
        %swap3A_454 = arith.constant 0 : index
        %swap3A_455 = tpu.vector_load %arg8[%swap3A_453, %swap3A_454] {strides = array<i32>} : memref<256x64xf32, #tpu.memory_space<vmem>>, vector<16xf32>,
        tpu.vector_store %arg8[%swap3A_453, %swap3A_454], %mul3A_452 {strides = array<i32>} : memref<256x64xf32, #tpu.memory_space<vmem>>, vector<16xf32>,
        %get3A_456 = arith.index_cast %scan3A_446 : i32 to index
        %get3A_457 = arith.constant 16 : index
        %get3A_458 = tpu.vector_load %arg8[%get3A_456, %get3A_457] {strides = array<i32>} : memref<256x64xf32, #tpu.memory_space<vmem>>, vector<16xf32>,
        %mul3A_459 = arith.constant 8.000000e+00 : f32
        %mul3A_460 = vector.broadcast %mul3A_459 : f32 to vector<16xf32>
        %mul3A_461 = arith.mulf %get3A_458, %mul3A_460 : vector<16xf32>
        %swap3A_462 = arith.index_cast %scan3A_446 : i32 to index
        %swap3A_463 = arith.constant 16 : index
        %swap3A_464 = tpu.vector_load %arg8[%swap3A_462, %swap3A_463] {strides = array<i32>} : memref<256x64xf32, #tpu.memory_space<vmem>>, vector<16xf32>,
        tpu.vector_store %arg8[%swap3A_462, %swap3A_463], %mul3A_461 {strides = array<i32>} : memref<256x64xf32, #tpu.memory_space<vmem>>, vector<16xf32>,
        %get3A_465 = arith.index_cast %scan3A_446 : i32 to index
        %get3A_466 = arith.constant 32 : index
        %get3A_467 = tpu.vector_load %arg8[%get3A_465, %get3A_466] {strides = array<i32>} : memref<256x64xf32, #tpu.memory_space<vmem>>, vector<16xf32>,
        %mul3A_468 = arith.constant 8.000000e+00 : f32
        %mul3A_469 = vector.broadcast %mul3A_468 : f32 to vector<16xf32>
        %mul3A_470 = arith.mulf %get3A_467, %mul3A_469 : vector<16xf32>
        %swap3A_471 = arith.index_cast %scan3A_446 : i32 to index
        %swap3A_472 = arith.constant 32 : index
        %swap3A_473 = tpu.vector_load %arg8[%swap3A_471, %swap3A_472] {strides = array<i32>} : memref<256x64xf32, #tpu.memory_space<vmem>>, vector<16xf32>,
        tpu.vector_store %arg8[%swap3A_471, %swap3A_472], %mul3A_470 {strides = array<i32>} : memref<256x64xf32, #tpu.memory_space<vmem>>, vector<16xf32>,
        %get3A_474 = arith.index_cast %scan3A_446 : i32 to index
        %get3A_475 = arith.constant 48 : index
        %get3A_476 = tpu.vector_load %arg8[%get3A_474, %get3A_475] {strides = array<i32>} : memref<256x64xf32, #tpu.memory_space<vmem>>, vector<16xf32>,
        %mul3A_477 = arith.constant 8.000000e+00 : f32
        %mul3A_478 = vector.broadcast %mul3A_477 : f32 to vector<16xf32>
        %mul3A_479 = arith.mulf %get3A_476, %mul3A_478 : vector<16xf32>
        %swap3A_480 = arith.index_cast %scan3A_446 : i32 to index
        %swap3A_481 = arith.constant 48 : index
        %swap3A_482 = tpu.vector_load %arg8[%swap3A_480, %swap3A_481] {strides = array<i32>} : memref<256x64xf32, #tpu.memory_space<vmem>>, vector<16xf32>,
        tpu.vector_store %arg8[%swap3A_480, %swap3A_481], %mul3A_479 {strides = array<i32>} : memref<256x64xf32, #tpu.memory_space<vmem>>, vector<16xf32>,
      }
      %scan3A_138 = arith.constant 256 : i32
      %mul3A_139 = arith.constant 256 : i32
      %mul3A_140 = arith.muli %add3A_111, %mul3A_139 : i32
      %add3A_141 = arith.addi %mul3A_2, %mul3A_140 : i32
      %dma_start3A_142 = arith.constant 0 : i32
      %dma_start3A_143 = tpu.memref_slice %arg4[%add3A_141, %dma_start3A_142] : memref<819200x64xf32, #tpu.memory_space<hbm>> -> memref<256x64xf32, #tpu.memory_space<hbm>>
      %dma_start3A_144 = arith.constant 0 : i32
      %dma_start3A_145 = tpu.memref_slice %arg4[%add3A_141, %dma_start3A_144] : memref<819200x64xf32, #tpu.memory_space<hbm>> -> memref<256x64xf32, #tpu.memory_space<hbm>>
      tpu.enqueue_dma source(%arg8 : memref<256x64xf32, #tpu.memory_space<vmem>>) target(%dma_start3A_145 : memref<256x64xf32, #tpu.memory_space<hbm>>) target_semaphore(%arg16 : memref<!tpu.dma_semaphore, #tpu.memory_space<semaphore_mem>>)
      %add3A_146 = arith.constant 3 : i32
      %add3A_147 = arith.addi %mul3A_42, %add3A_146 : i32
      %add3A_148 = arith.constant 2 : i32
      %add3A_149 = arith.addi %add3A_147, %add3A_148 : i32
      %lt3A_150 = arith.constant 100 : i32
      %lt3A_151 = arith.cmpi slt, %add3A_149, %lt3A_150 : i32
      %ge3A_152 = arith.constant 4 : i32
      %ge3A_153 = arith.cmpi sge, %add3A_149, %ge3A_152 : i32
      %and3A_154 = arith.andi %lt3A_151, %ge3A_153 : i1
      %convert_element_type3A_155 = arith.extui %and3A_154 : i1 to i32
      %cond3A_156 = arith.constant 0 : i32
      %cond3A_157 = arith.cmpi ne, %convert_element_type3A_155, %cond3A_156 : i32
      scf.if %cond3A_157 {
        %sub3A = arith.constant 4 : i32
        %sub3A_182 = arith.subi %add3A_149, %sub3A : i32
        %mul3A_183 = arith.constant 256 : i32
        %mul3A_184 = arith.muli %sub3A_182, %mul3A_183 : i32
        %add3A_185 = arith.addi %mul3A_2, %mul3A_184 : i32
        %dma_wait3A_186 = arith.constant 0 : i32
        %dma_wait3A_187 = tpu.memref_slice %arg4[%add3A_185, %dma_wait3A_186] : memref<819200x64xf32, #tpu.memory_space<hbm>> -> memref<256x64xf32, #tpu.memory_space<hbm>>
        %dma_wait3A_188 = arith.constant 0 : i32
        %dma_wait3A_189 = tpu.memref_slice %arg4[%add3A_185, %dma_wait3A_188] : memref<819200x64xf32, #tpu.memory_space<hbm>> -> memref<256x64xf32, #tpu.memory_space<hbm>>
        tpu.wait_dma2 semaphore(%arg15 : memref<!tpu.dma_semaphore, #tpu.memory_space<semaphore_mem>>) src(%arg7 : memref<256x64xf32, #tpu.memory_space<vmem>>) dst(%dma_wait3A_189 : memref<256x64xf32, #tpu.memory_space<hbm>>)
      } else {
      }
      %lt3A_158 = arith.constant 100 : i32
      %lt3A_159 = arith.cmpi slt, %add3A_149, %lt3A_158 : i32
      %convert_element_type3A_160 = arith.extui %lt3A_159 : i1 to i32
      %cond3A_161 = arith.constant 0 : i32
      %cond3A_162 = arith.cmpi ne, %convert_element_type3A_160, %cond3A_161 : i32
      scf.if %cond3A_162 {
        %mul3A_182 = arith.constant 256 : i32
        %mul3A_183 = arith.muli %add3A_149, %mul3A_182 : i32
        %dma_start3A_184 = tpu.memref_slice %arg5[%mul3A_183] : memref<25600xi32, #tpu.memory_space<vmem>> -> memref<256xi32, #tpu.memory_space<vmem>>
        %dma_start3A_185 = arith.constant 0 : i32
        %dma_start3A_186 = arith.constant 0 : i32
        %dma_start3A_187 = tpu.memref_slice %arg3[%dma_start3A_185, %dma_start3A_186] : memref<1000000x64xf32, #tpu.memory_space<hbm>> -> memref<1000000x64xf32, #tpu.memory_space<hbm>>
        tpu.enqueue_indirect_dma source(%dma_start3A_187 : memref<1000000x64xf32, #tpu.memory_space<hbm>>) target(%arg7 : memref<256x64xf32, #tpu.memory_space<vmem>>) offsets(%dma_start3A_184 : memref<256xi32, #tpu.memory_space<vmem>>) semaphore(%arg11 : memref<!tpu.dma_semaphore, #tpu.memory_space<semaphore_mem>>)
      } else {
      }
      %mul3A_163 = arith.constant 256 : i32
      %mul3A_164 = arith.muli %add3A_147, %mul3A_163 : i32
      %dma_wait3A_165 = tpu.memref_slice %arg5[%mul3A_164] : memref<25600xi32, #tpu.memory_space<vmem>> -> memref<256xi32, #tpu.memory_space<vmem>>
      %dma_wait3A_166 = arith.constant 0 : i32
      %dma_wait3A_167 = arith.constant 0 : i32
      %dma_wait3A_168 = tpu.memref_slice %arg3[%dma_wait3A_166, %dma_wait3A_167] : memref<1000000x64xf32, #tpu.memory_space<hbm>> -> memref<1000000x64xf32, #tpu.memory_space<hbm>>
      tpu.wait_indirect_dma semaphore(%arg13 : memref<!tpu.dma_semaphore, #tpu.memory_space<semaphore_mem>>) src(%dma_wait3A_168 : memref<1000000x64xf32, #tpu.memory_space<hbm>>) dst(%arg9 : memref<256x64xf32, #tpu.memory_space<vmem>>)
      %scan3A_169 = arith.constant 0 : i32
      %scan3A_170 = arith.constant 0 : i32
      %scan3A_171 = arith.constant 256 : i32
      %scan3A_172 = arith.addi %scan3A_170, %scan3A_171 : i32
      %scan3A_173 = arith.constant 8 : i32
      scf.for %scan3A_182 = %scan3A_170 to %scan3A_172 step %scan3A_173  : i32 {
        %get3A = arith.index_cast %scan3A_182 : i32 to index
        %get3A_183 = arith.constant 0 : index
        %get3A_184 = tpu.vector_load %arg9[%get3A, %get3A_183] {strides = array<i32>} : memref<256x64xf32, #tpu.memory_space<vmem>>, vector<16xf32>,
        %mul3A_185 = arith.constant 8.000000e+00 : f32
        %mul3A_186 = vector.broadcast %mul3A_185 : f32 to vector<16xf32>
        %mul3A_187 = arith.mulf %get3A_184, %mul3A_186 : vector<16xf32>
        %swap3A = arith.index_cast %scan3A_182 : i32 to index
        %swap3A_188 = arith.constant 0 : index
        %swap3A_189 = tpu.vector_load %arg9[%swap3A, %swap3A_188] {strides = array<i32>} : memref<256x64xf32, #tpu.memory_space<vmem>>, vector<16xf32>,
        tpu.vector_store %arg9[%swap3A, %swap3A_188], %mul3A_187 {strides = array<i32>} : memref<256x64xf32, #tpu.memory_space<vmem>>, vector<16xf32>,
        %get3A_190 = arith.index_cast %scan3A_182 : i32 to index
        %get3A_191 = arith.constant 16 : index
        %get3A_192 = tpu.vector_load %arg9[%get3A_190, %get3A_191] {strides = array<i32>} : memref<256x64xf32, #tpu.memory_space<vmem>>, vector<16xf32>,
        %mul3A_193 = arith.constant 8.000000e+00 : f32
        %mul3A_194 = vector.broadcast %mul3A_193 : f32 to vector<16xf32>
        %mul3A_195 = arith.mulf %get3A_192, %mul3A_194 : vector<16xf32>
        %swap3A_196 = arith.index_cast %scan3A_182 : i32 to index
        %swap3A_197 = arith.constant 16 : index
        %swap3A_198 = tpu.vector_load %arg9[%swap3A_196, %swap3A_197] {strides = array<i32>} : memref<256x64xf32, #tpu.memory_space<vmem>>, vector<16xf32>,
        tpu.vector_store %arg9[%swap3A_196, %swap3A_197], %mul3A_195 {strides = array<i32>} : memref<256x64xf32, #tpu.memory_space<vmem>>, vector<16xf32>,
        %get3A_199 = arith.index_cast %scan3A_182 : i32 to index
        %get3A_200 = arith.constant 32 : index
        %get3A_201 = tpu.vector_load %arg9[%get3A_199, %get3A_200] {strides = array<i32>} : memref<256x64xf32, #tpu.memory_space<vmem>>, vector<16xf32>,
        %mul3A_202 = arith.constant 8.000000e+00 : f32
        %mul3A_203 = vector.broadcast %mul3A_202 : f32 to vector<16xf32>
        %mul3A_204 = arith.mulf %get3A_201, %mul3A_203 : vector<16xf32>
        %swap3A_205 = arith.index_cast %scan3A_182 : i32 to index
        %swap3A_206 = arith.constant 32 : index
        %swap3A_207 = tpu.vector_load %arg9[%swap3A_205, %swap3A_206] {strides = array<i32>} : memref<256x64xf32, #tpu.memory_space<vmem>>, vector<16xf32>,
        tpu.vector_store %arg9[%swap3A_205, %swap3A_206], %mul3A_204 {strides = array<i32>} : memref<256x64xf32, #tpu.memory_space<vmem>>, vector<16xf32>,
        %get3A_208 = arith.index_cast %scan3A_182 : i32 to index
        %get3A_209 = arith.constant 48 : index
        %get3A_210 = tpu.vector_load %arg9[%get3A_208, %get3A_209] {strides = array<i32>} : memref<256x64xf32, #tpu.memory_space<vmem>>, vector<16xf32>,
        %mul3A_211 = arith.constant 8.000000e+00 : f32
        %mul3A_212 = vector.broadcast %mul3A_211 : f32 to vector<16xf32>
        %mul3A_213 = arith.mulf %get3A_210, %mul3A_212 : vector<16xf32>
        %swap3A_214 = arith.index_cast %scan3A_182 : i32 to index
        %swap3A_215 = arith.constant 48 : index
        %swap3A_216 = tpu.vector_load %arg9[%swap3A_214, %swap3A_215] {strides = array<i32>} : memref<256x64xf32, #tpu.memory_space<vmem>>, vector<16xf32>,
        tpu.vector_store %arg9[%swap3A_214, %swap3A_215], %mul3A_213 {strides = array<i32>} : memref<256x64xf32, #tpu.memory_space<vmem>>, vector<16xf32>,
        %scan3A_217 = arith.constant 1 : i32
        %scan3A_218 = arith.addi %scan3A_182, %scan3A_217 : i32
        %get3A_219 = arith.index_cast %scan3A_218 : i32 to index
        %get3A_220 = arith.constant 0 : index
        %get3A_221 = tpu.vector_load %arg9[%get3A_219, %get3A_220] {strides = array<i32>} : memref<256x64xf32, #tpu.memory_space<vmem>>, vector<16xf32>,
        %mul3A_222 = arith.constant 8.000000e+00 : f32
        %mul3A_223 = vector.broadcast %mul3A_222 : f32 to vector<16xf32>
        %mul3A_224 = arith.mulf %get3A_221, %mul3A_223 : vector<16xf32>
        %swap3A_225 = arith.index_cast %scan3A_218 : i32 to index
        %swap3A_226 = arith.constant 0 : index
        %swap3A_227 = tpu.vector_load %arg9[%swap3A_225, %swap3A_226] {strides = array<i32>} : memref<256x64xf32, #tpu.memory_space<vmem>>, vector<16xf32>,
        tpu.vector_store %arg9[%swap3A_225, %swap3A_226], %mul3A_224 {strides = array<i32>} : memref<256x64xf32, #tpu.memory_space<vmem>>, vector<16xf32>,
        %get3A_228 = arith.index_cast %scan3A_218 : i32 to index
        %get3A_229 = arith.constant 16 : index
        %get3A_230 = tpu.vector_load %arg9[%get3A_228, %get3A_229] {strides = array<i32>} : memref<256x64xf32, #tpu.memory_space<vmem>>, vector<16xf32>,
        %mul3A_231 = arith.constant 8.000000e+00 : f32
        %mul3A_232 = vector.broadcast %mul3A_231 : f32 to vector<16xf32>
        %mul3A_233 = arith.mulf %get3A_230, %mul3A_232 : vector<16xf32>
        %swap3A_234 = arith.index_cast %scan3A_218 : i32 to index
        %swap3A_235 = arith.constant 16 : index
        %swap3A_236 = tpu.vector_load %arg9[%swap3A_234, %swap3A_235] {strides = array<i32>} : memref<256x64xf32, #tpu.memory_space<vmem>>, vector<16xf32>,
        tpu.vector_store %arg9[%swap3A_234, %swap3A_235], %mul3A_233 {strides = array<i32>} : memref<256x64xf32, #tpu.memory_space<vmem>>, vector<16xf32>,
        %get3A_237 = arith.index_cast %scan3A_218 : i32 to index
        %get3A_238 = arith.constant 32 : index
        %get3A_239 = tpu.vector_load %arg9[%get3A_237, %get3A_238] {strides = array<i32>} : memref<256x64xf32, #tpu.memory_space<vmem>>, vector<16xf32>,
        %mul3A_240 = arith.constant 8.000000e+00 : f32
        %mul3A_241 = vector.broadcast %mul3A_240 : f32 to vector<16xf32>
        %mul3A_242 = arith.mulf %get3A_239, %mul3A_241 : vector<16xf32>
        %swap3A_243 = arith.index_cast %scan3A_218 : i32 to index
        %swap3A_244 = arith.constant 32 : index
        %swap3A_245 = tpu.vector_load %arg9[%swap3A_243, %swap3A_244] {strides = array<i32>} : memref<256x64xf32, #tpu.memory_space<vmem>>, vector<16xf32>,
        tpu.vector_store %arg9[%swap3A_243, %swap3A_244], %mul3A_242 {strides = array<i32>} : memref<256x64xf32, #tpu.memory_space<vmem>>, vector<16xf32>,
        %get3A_246 = arith.index_cast %scan3A_218 : i32 to index
        %get3A_247 = arith.constant 48 : index
        %get3A_248 = tpu.vector_load %arg9[%get3A_246, %get3A_247] {strides = array<i32>} : memref<256x64xf32, #tpu.memory_space<vmem>>, vector<16xf32>,
        %mul3A_249 = arith.constant 8.000000e+00 : f32
        %mul3A_250 = vector.broadcast %mul3A_249 : f32 to vector<16xf32>
        %mul3A_251 = arith.mulf %get3A_248, %mul3A_250 : vector<16xf32>
        %swap3A_252 = arith.index_cast %scan3A_218 : i32 to index
        %swap3A_253 = arith.constant 48 : index
        %swap3A_254 = tpu.vector_load %arg9[%swap3A_252, %swap3A_253] {strides = array<i32>} : memref<256x64xf32, #tpu.memory_space<vmem>>, vector<16xf32>,
        tpu.vector_store %arg9[%swap3A_252, %swap3A_253], %mul3A_251 {strides = array<i32>} : memref<256x64xf32, #tpu.memory_space<vmem>>, vector<16xf32>,
        %scan3A_255 = arith.constant 2 : i32
        %scan3A_256 = arith.addi %scan3A_182, %scan3A_255 : i32
        %get3A_257 = arith.index_cast %scan3A_256 : i32 to index
        %get3A_258 = arith.constant 0 : index
        %get3A_259 = tpu.vector_load %arg9[%get3A_257, %get3A_258] {strides = array<i32>} : memref<256x64xf32, #tpu.memory_space<vmem>>, vector<16xf32>,
        %mul3A_260 = arith.constant 8.000000e+00 : f32
        %mul3A_261 = vector.broadcast %mul3A_260 : f32 to vector<16xf32>
        %mul3A_262 = arith.mulf %get3A_259, %mul3A_261 : vector<16xf32>
        %swap3A_263 = arith.index_cast %scan3A_256 : i32 to index
        %swap3A_264 = arith.constant 0 : index
        %swap3A_265 = tpu.vector_load %arg9[%swap3A_263, %swap3A_264] {strides = array<i32>} : memref<256x64xf32, #tpu.memory_space<vmem>>, vector<16xf32>,
        tpu.vector_store %arg9[%swap3A_263, %swap3A_264], %mul3A_262 {strides = array<i32>} : memref<256x64xf32, #tpu.memory_space<vmem>>, vector<16xf32>,
        %get3A_266 = arith.index_cast %scan3A_256 : i32 to index
        %get3A_267 = arith.constant 16 : index
        %get3A_268 = tpu.vector_load %arg9[%get3A_266, %get3A_267] {strides = array<i32>} : memref<256x64xf32, #tpu.memory_space<vmem>>, vector<16xf32>,
        %mul3A_269 = arith.constant 8.000000e+00 : f32
        %mul3A_270 = vector.broadcast %mul3A_269 : f32 to vector<16xf32>
        %mul3A_271 = arith.mulf %get3A_268, %mul3A_270 : vector<16xf32>
        %swap3A_272 = arith.index_cast %scan3A_256 : i32 to index
        %swap3A_273 = arith.constant 16 : index
        %swap3A_274 = tpu.vector_load %arg9[%swap3A_272, %swap3A_273] {strides = array<i32>} : memref<256x64xf32, #tpu.memory_space<vmem>>, vector<16xf32>,
        tpu.vector_store %arg9[%swap3A_272, %swap3A_273], %mul3A_271 {strides = array<i32>} : memref<256x64xf32, #tpu.memory_space<vmem>>, vector<16xf32>,
        %get3A_275 = arith.index_cast %scan3A_256 : i32 to index
        %get3A_276 = arith.constant 32 : index
        %get3A_277 = tpu.vector_load %arg9[%get3A_275, %get3A_276] {strides = array<i32>} : memref<256x64xf32, #tpu.memory_space<vmem>>, vector<16xf32>,
        %mul3A_278 = arith.constant 8.000000e+00 : f32
        %mul3A_279 = vector.broadcast %mul3A_278 : f32 to vector<16xf32>
        %mul3A_280 = arith.mulf %get3A_277, %mul3A_279 : vector<16xf32>
        %swap3A_281 = arith.index_cast %scan3A_256 : i32 to index
        %swap3A_282 = arith.constant 32 : index
        %swap3A_283 = tpu.vector_load %arg9[%swap3A_281, %swap3A_282] {strides = array<i32>} : memref<256x64xf32, #tpu.memory_space<vmem>>, vector<16xf32>,
        tpu.vector_store %arg9[%swap3A_281, %swap3A_282], %mul3A_280 {strides = array<i32>} : memref<256x64xf32, #tpu.memory_space<vmem>>, vector<16xf32>,
        %get3A_284 = arith.index_cast %scan3A_256 : i32 to index
        %get3A_285 = arith.constant 48 : index
        %get3A_286 = tpu.vector_load %arg9[%get3A_284, %get3A_285] {strides = array<i32>} : memref<256x64xf32, #tpu.memory_space<vmem>>, vector<16xf32>,
        %mul3A_287 = arith.constant 8.000000e+00 : f32
        %mul3A_288 = vector.broadcast %mul3A_287 : f32 to vector<16xf32>
        %mul3A_289 = arith.mulf %get3A_286, %mul3A_288 : vector<16xf32>
        %swap3A_290 = arith.index_cast %scan3A_256 : i32 to index
        %swap3A_291 = arith.constant 48 : index
        %swap3A_292 = tpu.vector_load %arg9[%swap3A_290, %swap3A_291] {strides = array<i32>} : memref<256x64xf32, #tpu.memory_space<vmem>>, vector<16xf32>,
        tpu.vector_store %arg9[%swap3A_290, %swap3A_291], %mul3A_289 {strides = array<i32>} : memref<256x64xf32, #tpu.memory_space<vmem>>, vector<16xf32>,
        %scan3A_293 = arith.constant 3 : i32
        %scan3A_294 = arith.addi %scan3A_182, %scan3A_293 : i32
        %get3A_295 = arith.index_cast %scan3A_294 : i32 to index
        %get3A_296 = arith.constant 0 : index
        %get3A_297 = tpu.vector_load %arg9[%get3A_295, %get3A_296] {strides = array<i32>} : memref<256x64xf32, #tpu.memory_space<vmem>>, vector<16xf32>,
        %mul3A_298 = arith.constant 8.000000e+00 : f32
        %mul3A_299 = vector.broadcast %mul3A_298 : f32 to vector<16xf32>
        %mul3A_300 = arith.mulf %get3A_297, %mul3A_299 : vector<16xf32>
        %swap3A_301 = arith.index_cast %scan3A_294 : i32 to index
        %swap3A_302 = arith.constant 0 : index
        %swap3A_303 = tpu.vector_load %arg9[%swap3A_301, %swap3A_302] {strides = array<i32>} : memref<256x64xf32, #tpu.memory_space<vmem>>, vector<16xf32>,
        tpu.vector_store %arg9[%swap3A_301, %swap3A_302], %mul3A_300 {strides = array<i32>} : memref<256x64xf32, #tpu.memory_space<vmem>>, vector<16xf32>,
        %get3A_304 = arith.index_cast %scan3A_294 : i32 to index
        %get3A_305 = arith.constant 16 : index
        %get3A_306 = tpu.vector_load %arg9[%get3A_304, %get3A_305] {strides = array<i32>} : memref<256x64xf32, #tpu.memory_space<vmem>>, vector<16xf32>,
        %mul3A_307 = arith.constant 8.000000e+00 : f32
        %mul3A_308 = vector.broadcast %mul3A_307 : f32 to vector<16xf32>
        %mul3A_309 = arith.mulf %get3A_306, %mul3A_308 : vector<16xf32>
        %swap3A_310 = arith.index_cast %scan3A_294 : i32 to index
        %swap3A_311 = arith.constant 16 : index
        %swap3A_312 = tpu.vector_load %arg9[%swap3A_310, %swap3A_311] {strides = array<i32>} : memref<256x64xf32, #tpu.memory_space<vmem>>, vector<16xf32>,
        tpu.vector_store %arg9[%swap3A_310, %swap3A_311], %mul3A_309 {strides = array<i32>} : memref<256x64xf32, #tpu.memory_space<vmem>>, vector<16xf32>,
        %get3A_313 = arith.index_cast %scan3A_294 : i32 to index
        %get3A_314 = arith.constant 32 : index
        %get3A_315 = tpu.vector_load %arg9[%get3A_313, %get3A_314] {strides = array<i32>} : memref<256x64xf32, #tpu.memory_space<vmem>>, vector<16xf32>,
        %mul3A_316 = arith.constant 8.000000e+00 : f32
        %mul3A_317 = vector.broadcast %mul3A_316 : f32 to vector<16xf32>
        %mul3A_318 = arith.mulf %get3A_315, %mul3A_317 : vector<16xf32>
        %swap3A_319 = arith.index_cast %scan3A_294 : i32 to index
        %swap3A_320 = arith.constant 32 : index
        %swap3A_321 = tpu.vector_load %arg9[%swap3A_319, %swap3A_320] {strides = array<i32>} : memref<256x64xf32, #tpu.memory_space<vmem>>, vector<16xf32>,
        tpu.vector_store %arg9[%swap3A_319, %swap3A_320], %mul3A_318 {strides = array<i32>} : memref<256x64xf32, #tpu.memory_space<vmem>>, vector<16xf32>,
        %get3A_322 = arith.index_cast %scan3A_294 : i32 to index
        %get3A_323 = arith.constant 48 : index
        %get3A_324 = tpu.vector_load %arg9[%get3A_322, %get3A_323] {strides = array<i32>} : memref<256x64xf32, #tpu.memory_space<vmem>>, vector<16xf32>,
        %mul3A_325 = arith.constant 8.000000e+00 : f32
        %mul3A_326 = vector.broadcast %mul3A_325 : f32 to vector<16xf32>
        %mul3A_327 = arith.mulf %get3A_324, %mul3A_326 : vector<16xf32>
        %swap3A_328 = arith.index_cast %scan3A_294 : i32 to index
        %swap3A_329 = arith.constant 48 : index
        %swap3A_330 = tpu.vector_load %arg9[%swap3A_328, %swap3A_329] {strides = array<i32>} : memref<256x64xf32, #tpu.memory_space<vmem>>, vector<16xf32>,
        tpu.vector_store %arg9[%swap3A_328, %swap3A_329], %mul3A_327 {strides = array<i32>} : memref<256x64xf32, #tpu.memory_space<vmem>>, vector<16xf32>,
        %scan3A_331 = arith.constant 4 : i32
        %scan3A_332 = arith.addi %scan3A_182, %scan3A_331 : i32
        %get3A_333 = arith.index_cast %scan3A_332 : i32 to index
        %get3A_334 = arith.constant 0 : index
        %get3A_335 = tpu.vector_load %arg9[%get3A_333, %get3A_334] {strides = array<i32>} : memref<256x64xf32, #tpu.memory_space<vmem>>, vector<16xf32>,
        %mul3A_336 = arith.constant 8.000000e+00 : f32
        %mul3A_337 = vector.broadcast %mul3A_336 : f32 to vector<16xf32>
        %mul3A_338 = arith.mulf %get3A_335, %mul3A_337 : vector<16xf32>
        %swap3A_339 = arith.index_cast %scan3A_332 : i32 to index
        %swap3A_340 = arith.constant 0 : index
        %swap3A_341 = tpu.vector_load %arg9[%swap3A_339, %swap3A_340] {strides = array<i32>} : memref<256x64xf32, #tpu.memory_space<vmem>>, vector<16xf32>,
        tpu.vector_store %arg9[%swap3A_339, %swap3A_340], %mul3A_338 {strides = array<i32>} : memref<256x64xf32, #tpu.memory_space<vmem>>, vector<16xf32>,
        %get3A_342 = arith.index_cast %scan3A_332 : i32 to index
        %get3A_343 = arith.constant 16 : index
        %get3A_344 = tpu.vector_load %arg9[%get3A_342, %get3A_343] {strides = array<i32>} : memref<256x64xf32, #tpu.memory_space<vmem>>, vector<16xf32>,
        %mul3A_345 = arith.constant 8.000000e+00 : f32
        %mul3A_346 = vector.broadcast %mul3A_345 : f32 to vector<16xf32>
        %mul3A_347 = arith.mulf %get3A_344, %mul3A_346 : vector<16xf32>
        %swap3A_348 = arith.index_cast %scan3A_332 : i32 to index
        %swap3A_349 = arith.constant 16 : index
        %swap3A_350 = tpu.vector_load %arg9[%swap3A_348, %swap3A_349] {strides = array<i32>} : memref<256x64xf32, #tpu.memory_space<vmem>>, vector<16xf32>,
        tpu.vector_store %arg9[%swap3A_348, %swap3A_349], %mul3A_347 {strides = array<i32>} : memref<256x64xf32, #tpu.memory_space<vmem>>, vector<16xf32>,
        %get3A_351 = arith.index_cast %scan3A_332 : i32 to index
        %get3A_352 = arith.constant 32 : index
        %get3A_353 = tpu.vector_load %arg9[%get3A_351, %get3A_352] {strides = array<i32>} : memref<256x64xf32, #tpu.memory_space<vmem>>, vector<16xf32>,
        %mul3A_354 = arith.constant 8.000000e+00 : f32
        %mul3A_355 = vector.broadcast %mul3A_354 : f32 to vector<16xf32>
        %mul3A_356 = arith.mulf %get3A_353, %mul3A_355 : vector<16xf32>
        %swap3A_357 = arith.index_cast %scan3A_332 : i32 to index
        %swap3A_358 = arith.constant 32 : index
        %swap3A_359 = tpu.vector_load %arg9[%swap3A_357, %swap3A_358] {strides = array<i32>} : memref<256x64xf32, #tpu.memory_space<vmem>>, vector<16xf32>,
        tpu.vector_store %arg9[%swap3A_357, %swap3A_358], %mul3A_356 {strides = array<i32>} : memref<256x64xf32, #tpu.memory_space<vmem>>, vector<16xf32>,
        %get3A_360 = arith.index_cast %scan3A_332 : i32 to index
        %get3A_361 = arith.constant 48 : index
        %get3A_362 = tpu.vector_load %arg9[%get3A_360, %get3A_361] {strides = array<i32>} : memref<256x64xf32, #tpu.memory_space<vmem>>, vector<16xf32>,
        %mul3A_363 = arith.constant 8.000000e+00 : f32
        %mul3A_364 = vector.broadcast %mul3A_363 : f32 to vector<16xf32>
        %mul3A_365 = arith.mulf %get3A_362, %mul3A_364 : vector<16xf32>
        %swap3A_366 = arith.index_cast %scan3A_332 : i32 to index
        %swap3A_367 = arith.constant 48 : index
        %swap3A_368 = tpu.vector_load %arg9[%swap3A_366, %swap3A_367] {strides = array<i32>} : memref<256x64xf32, #tpu.memory_space<vmem>>, vector<16xf32>,
        tpu.vector_store %arg9[%swap3A_366, %swap3A_367], %mul3A_365 {strides = array<i32>} : memref<256x64xf32, #tpu.memory_space<vmem>>, vector<16xf32>,
        %scan3A_369 = arith.constant 5 : i32
        %scan3A_370 = arith.addi %scan3A_182, %scan3A_369 : i32
        %get3A_371 = arith.index_cast %scan3A_370 : i32 to index
        %get3A_372 = arith.constant 0 : index
        %get3A_373 = tpu.vector_load %arg9[%get3A_371, %get3A_372] {strides = array<i32>} : memref<256x64xf32, #tpu.memory_space<vmem>>, vector<16xf32>,
        %mul3A_374 = arith.constant 8.000000e+00 : f32
        %mul3A_375 = vector.broadcast %mul3A_374 : f32 to vector<16xf32>
        %mul3A_376 = arith.mulf %get3A_373, %mul3A_375 : vector<16xf32>
        %swap3A_377 = arith.index_cast %scan3A_370 : i32 to index
        %swap3A_378 = arith.constant 0 : index
        %swap3A_379 = tpu.vector_load %arg9[%swap3A_377, %swap3A_378] {strides = array<i32>} : memref<256x64xf32, #tpu.memory_space<vmem>>, vector<16xf32>,
        tpu.vector_store %arg9[%swap3A_377, %swap3A_378], %mul3A_376 {strides = array<i32>} : memref<256x64xf32, #tpu.memory_space<vmem>>, vector<16xf32>,
        %get3A_380 = arith.index_cast %scan3A_370 : i32 to index
        %get3A_381 = arith.constant 16 : index
        %get3A_382 = tpu.vector_load %arg9[%get3A_380, %get3A_381] {strides = array<i32>} : memref<256x64xf32, #tpu.memory_space<vmem>>, vector<16xf32>,
        %mul3A_383 = arith.constant 8.000000e+00 : f32
        %mul3A_384 = vector.broadcast %mul3A_383 : f32 to vector<16xf32>
        %mul3A_385 = arith.mulf %get3A_382, %mul3A_384 : vector<16xf32>
        %swap3A_386 = arith.index_cast %scan3A_370 : i32 to index
        %swap3A_387 = arith.constant 16 : index
        %swap3A_388 = tpu.vector_load %arg9[%swap3A_386, %swap3A_387] {strides = array<i32>} : memref<256x64xf32, #tpu.memory_space<vmem>>, vector<16xf32>,
        tpu.vector_store %arg9[%swap3A_386, %swap3A_387], %mul3A_385 {strides = array<i32>} : memref<256x64xf32, #tpu.memory_space<vmem>>, vector<16xf32>,
        %get3A_389 = arith.index_cast %scan3A_370 : i32 to index
        %get3A_390 = arith.constant 32 : index
        %get3A_391 = tpu.vector_load %arg9[%get3A_389, %get3A_390] {strides = array<i32>} : memref<256x64xf32, #tpu.memory_space<vmem>>, vector<16xf32>,
        %mul3A_392 = arith.constant 8.000000e+00 : f32
        %mul3A_393 = vector.broadcast %mul3A_392 : f32 to vector<16xf32>
        %mul3A_394 = arith.mulf %get3A_391, %mul3A_393 : vector<16xf32>
        %swap3A_395 = arith.index_cast %scan3A_370 : i32 to index
        %swap3A_396 = arith.constant 32 : index
        %swap3A_397 = tpu.vector_load %arg9[%swap3A_395, %swap3A_396] {strides = array<i32>} : memref<256x64xf32, #tpu.memory_space<vmem>>, vector<16xf32>,
        tpu.vector_store %arg9[%swap3A_395, %swap3A_396], %mul3A_394 {strides = array<i32>} : memref<256x64xf32, #tpu.memory_space<vmem>>, vector<16xf32>,
        %get3A_398 = arith.index_cast %scan3A_370 : i32 to index
        %get3A_399 = arith.constant 48 : index
        %get3A_400 = tpu.vector_load %arg9[%get3A_398, %get3A_399] {strides = array<i32>} : memref<256x64xf32, #tpu.memory_space<vmem>>, vector<16xf32>,
        %mul3A_401 = arith.constant 8.000000e+00 : f32
        %mul3A_402 = vector.broadcast %mul3A_401 : f32 to vector<16xf32>
        %mul3A_403 = arith.mulf %get3A_400, %mul3A_402 : vector<16xf32>
        %swap3A_404 = arith.index_cast %scan3A_370 : i32 to index
        %swap3A_405 = arith.constant 48 : index
        %swap3A_406 = tpu.vector_load %arg9[%swap3A_404, %swap3A_405] {strides = array<i32>} : memref<256x64xf32, #tpu.memory_space<vmem>>, vector<16xf32>,
        tpu.vector_store %arg9[%swap3A_404, %swap3A_405], %mul3A_403 {strides = array<i32>} : memref<256x64xf32, #tpu.memory_space<vmem>>, vector<16xf32>,
        %scan3A_407 = arith.constant 6 : i32
        %scan3A_408 = arith.addi %scan3A_182, %scan3A_407 : i32
        %get3A_409 = arith.index_cast %scan3A_408 : i32 to index
        %get3A_410 = arith.constant 0 : index
        %get3A_411 = tpu.vector_load %arg9[%get3A_409, %get3A_410] {strides = array<i32>} : memref<256x64xf32, #tpu.memory_space<vmem>>, vector<16xf32>,
        %mul3A_412 = arith.constant 8.000000e+00 : f32
        %mul3A_413 = vector.broadcast %mul3A_412 : f32 to vector<16xf32>
        %mul3A_414 = arith.mulf %get3A_411, %mul3A_413 : vector<16xf32>
        %swap3A_415 = arith.index_cast %scan3A_408 : i32 to index
        %swap3A_416 = arith.constant 0 : index
        %swap3A_417 = tpu.vector_load %arg9[%swap3A_415, %swap3A_416] {strides = array<i32>} : memref<256x64xf32, #tpu.memory_space<vmem>>, vector<16xf32>,
        tpu.vector_store %arg9[%swap3A_415, %swap3A_416], %mul3A_414 {strides = array<i32>} : memref<256x64xf32, #tpu.memory_space<vmem>>, vector<16xf32>,
        %get3A_418 = arith.index_cast %scan3A_408 : i32 to index
        %get3A_419 = arith.constant 16 : index
        %get3A_420 = tpu.vector_load %arg9[%get3A_418, %get3A_419] {strides = array<i32>} : memref<256x64xf32, #tpu.memory_space<vmem>>, vector<16xf32>,
        %mul3A_421 = arith.constant 8.000000e+00 : f32
        %mul3A_422 = vector.broadcast %mul3A_421 : f32 to vector<16xf32>
        %mul3A_423 = arith.mulf %get3A_420, %mul3A_422 : vector<16xf32>
        %swap3A_424 = arith.index_cast %scan3A_408 : i32 to index
        %swap3A_425 = arith.constant 16 : index
        %swap3A_426 = tpu.vector_load %arg9[%swap3A_424, %swap3A_425] {strides = array<i32>} : memref<256x64xf32, #tpu.memory_space<vmem>>, vector<16xf32>,
        tpu.vector_store %arg9[%swap3A_424, %swap3A_425], %mul3A_423 {strides = array<i32>} : memref<256x64xf32, #tpu.memory_space<vmem>>, vector<16xf32>,
        %get3A_427 = arith.index_cast %scan3A_408 : i32 to index
        %get3A_428 = arith.constant 32 : index
        %get3A_429 = tpu.vector_load %arg9[%get3A_427, %get3A_428] {strides = array<i32>} : memref<256x64xf32, #tpu.memory_space<vmem>>, vector<16xf32>,
        %mul3A_430 = arith.constant 8.000000e+00 : f32
        %mul3A_431 = vector.broadcast %mul3A_430 : f32 to vector<16xf32>
        %mul3A_432 = arith.mulf %get3A_429, %mul3A_431 : vector<16xf32>
        %swap3A_433 = arith.index_cast %scan3A_408 : i32 to index
        %swap3A_434 = arith.constant 32 : index
        %swap3A_435 = tpu.vector_load %arg9[%swap3A_433, %swap3A_434] {strides = array<i32>} : memref<256x64xf32, #tpu.memory_space<vmem>>, vector<16xf32>,
        tpu.vector_store %arg9[%swap3A_433, %swap3A_434], %mul3A_432 {strides = array<i32>} : memref<256x64xf32, #tpu.memory_space<vmem>>, vector<16xf32>,
        %get3A_436 = arith.index_cast %scan3A_408 : i32 to index
        %get3A_437 = arith.constant 48 : index
        %get3A_438 = tpu.vector_load %arg9[%get3A_436, %get3A_437] {strides = array<i32>} : memref<256x64xf32, #tpu.memory_space<vmem>>, vector<16xf32>,
        %mul3A_439 = arith.constant 8.000000e+00 : f32
        %mul3A_440 = vector.broadcast %mul3A_439 : f32 to vector<16xf32>
        %mul3A_441 = arith.mulf %get3A_438, %mul3A_440 : vector<16xf32>
        %swap3A_442 = arith.index_cast %scan3A_408 : i32 to index
        %swap3A_443 = arith.constant 48 : index
        %swap3A_444 = tpu.vector_load %arg9[%swap3A_442, %swap3A_443] {strides = array<i32>} : memref<256x64xf32, #tpu.memory_space<vmem>>, vector<16xf32>,
        tpu.vector_store %arg9[%swap3A_442, %swap3A_443], %mul3A_441 {strides = array<i32>} : memref<256x64xf32, #tpu.memory_space<vmem>>, vector<16xf32>,
        %scan3A_445 = arith.constant 7 : i32
        %scan3A_446 = arith.addi %scan3A_182, %scan3A_445 : i32
        %get3A_447 = arith.index_cast %scan3A_446 : i32 to index
        %get3A_448 = arith.constant 0 : index
        %get3A_449 = tpu.vector_load %arg9[%get3A_447, %get3A_448] {strides = array<i32>} : memref<256x64xf32, #tpu.memory_space<vmem>>, vector<16xf32>,
        %mul3A_450 = arith.constant 8.000000e+00 : f32
        %mul3A_451 = vector.broadcast %mul3A_450 : f32 to vector<16xf32>
        %mul3A_452 = arith.mulf %get3A_449, %mul3A_451 : vector<16xf32>
        %swap3A_453 = arith.index_cast %scan3A_446 : i32 to index
        %swap3A_454 = arith.constant 0 : index
        %swap3A_455 = tpu.vector_load %arg9[%swap3A_453, %swap3A_454] {strides = array<i32>} : memref<256x64xf32, #tpu.memory_space<vmem>>, vector<16xf32>,
        tpu.vector_store %arg9[%swap3A_453, %swap3A_454], %mul3A_452 {strides = array<i32>} : memref<256x64xf32, #tpu.memory_space<vmem>>, vector<16xf32>,
        %get3A_456 = arith.index_cast %scan3A_446 : i32 to index
        %get3A_457 = arith.constant 16 : index
        %get3A_458 = tpu.vector_load %arg9[%get3A_456, %get3A_457] {strides = array<i32>} : memref<256x64xf32, #tpu.memory_space<vmem>>, vector<16xf32>,
        %mul3A_459 = arith.constant 8.000000e+00 : f32
        %mul3A_460 = vector.broadcast %mul3A_459 : f32 to vector<16xf32>
        %mul3A_461 = arith.mulf %get3A_458, %mul3A_460 : vector<16xf32>
        %swap3A_462 = arith.index_cast %scan3A_446 : i32 to index
        %swap3A_463 = arith.constant 16 : index
        %swap3A_464 = tpu.vector_load %arg9[%swap3A_462, %swap3A_463] {strides = array<i32>} : memref<256x64xf32, #tpu.memory_space<vmem>>, vector<16xf32>,
        tpu.vector_store %arg9[%swap3A_462, %swap3A_463], %mul3A_461 {strides = array<i32>} : memref<256x64xf32, #tpu.memory_space<vmem>>, vector<16xf32>,
        %get3A_465 = arith.index_cast %scan3A_446 : i32 to index
        %get3A_466 = arith.constant 32 : index
        %get3A_467 = tpu.vector_load %arg9[%get3A_465, %get3A_466] {strides = array<i32>} : memref<256x64xf32, #tpu.memory_space<vmem>>, vector<16xf32>,
        %mul3A_468 = arith.constant 8.000000e+00 : f32
        %mul3A_469 = vector.broadcast %mul3A_468 : f32 to vector<16xf32>
        %mul3A_470 = arith.mulf %get3A_467, %mul3A_469 : vector<16xf32>
        %swap3A_471 = arith.index_cast %scan3A_446 : i32 to index
        %swap3A_472 = arith.constant 32 : index
        %swap3A_473 = tpu.vector_load %arg9[%swap3A_471, %swap3A_472] {strides = array<i32>} : memref<256x64xf32, #tpu.memory_space<vmem>>, vector<16xf32>,
        tpu.vector_store %arg9[%swap3A_471, %swap3A_472], %mul3A_470 {strides = array<i32>} : memref<256x64xf32, #tpu.memory_space<vmem>>, vector<16xf32>,
        %get3A_474 = arith.index_cast %scan3A_446 : i32 to index
        %get3A_475 = arith.constant 48 : index
        %get3A_476 = tpu.vector_load %arg9[%get3A_474, %get3A_475] {strides = array<i32>} : memref<256x64xf32, #tpu.memory_space<vmem>>, vector<16xf32>,
        %mul3A_477 = arith.constant 8.000000e+00 : f32
        %mul3A_478 = vector.broadcast %mul3A_477 : f32 to vector<16xf32>
        %mul3A_479 = arith.mulf %get3A_476, %mul3A_478 : vector<16xf32>
        %swap3A_480 = arith.index_cast %scan3A_446 : i32 to index
        %swap3A_481 = arith.constant 48 : index
        %swap3A_482 = tpu.vector_load %arg9[%swap3A_480, %swap3A_481] {strides = array<i32>} : memref<256x64xf32, #tpu.memory_space<vmem>>, vector<16xf32>,
        tpu.vector_store %arg9[%swap3A_480, %swap3A_481], %mul3A_479 {strides = array<i32>} : memref<256x64xf32, #tpu.memory_space<vmem>>, vector<16xf32>,
      }
      %scan3A_174 = arith.constant 256 : i32
      %mul3A_175 = arith.constant 256 : i32
      %mul3A_176 = arith.muli %add3A_147, %mul3A_175 : i32
      %add3A_177 = arith.addi %mul3A_2, %mul3A_176 : i32
      %dma_start3A_178 = arith.constant 0 : i32
      %dma_start3A_179 = tpu.memref_slice %arg4[%add3A_177, %dma_start3A_178] : memref<819200x64xf32, #tpu.memory_space<hbm>> -> memref<256x64xf32, #tpu.memory_space<hbm>>
      %dma_start3A_180 = arith.constant 0 : i32
      %dma_start3A_181 = tpu.memref_slice %arg4[%add3A_177, %dma_start3A_180] : memref<819200x64xf32, #tpu.memory_space<hbm>> -> memref<256x64xf32, #tpu.memory_space<hbm>>
      tpu.enqueue_dma source(%arg9 : memref<256x64xf32, #tpu.memory_space<vmem>>) target(%dma_start3A_181 : memref<256x64xf32, #tpu.memory_space<hbm>>) target_semaphore(%arg17 : memref<!tpu.dma_semaphore, #tpu.memory_space<semaphore_mem>>)
    }
    %scan3A_16 = arith.constant 25 : i32
    %add3A_17 = arith.constant 24576 : i32
    %add3A_18 = arith.addi %mul3A_2, %add3A_17 : i32
    %dma_wait3A = arith.constant 0 : i32
    %dma_wait3A_19 = tpu.memref_slice %arg4[%add3A_18, %dma_wait3A] : memref<819200x64xf32, #tpu.memory_space<hbm>> -> memref<256x64xf32, #tpu.memory_space<hbm>>
    %dma_wait3A_20 = arith.constant 0 : i32
    %dma_wait3A_21 = tpu.memref_slice %arg4[%add3A_18, %dma_wait3A_20] : memref<819200x64xf32, #tpu.memory_space<hbm>> -> memref<256x64xf32, #tpu.memory_space<hbm>>
    tpu.wait_dma2 semaphore(%arg14 : memref<!tpu.dma_semaphore, #tpu.memory_space<semaphore_mem>>) src(%arg6 : memref<256x64xf32, #tpu.memory_space<vmem>>) dst(%dma_wait3A_21 : memref<256x64xf32, #tpu.memory_space<hbm>>)
    %add3A_22 = arith.constant 24832 : i32
    %add3A_23 = arith.addi %mul3A_2, %add3A_22 : i32
    %dma_wait3A_24 = arith.constant 0 : i32
    %dma_wait3A_25 = tpu.memref_slice %arg4[%add3A_23, %dma_wait3A_24] : memref<819200x64xf32, #tpu.memory_space<hbm>> -> memref<256x64xf32, #tpu.memory_space<hbm>>
    %dma_wait3A_26 = arith.constant 0 : i32
    %dma_wait3A_27 = tpu.memref_slice %arg4[%add3A_23, %dma_wait3A_26] : memref<819200x64xf32, #tpu.memory_space<hbm>> -> memref<256x64xf32, #tpu.memory_space<hbm>>
    tpu.wait_dma2 semaphore(%arg15 : memref<!tpu.dma_semaphore, #tpu.memory_space<semaphore_mem>>) src(%arg7 : memref<256x64xf32, #tpu.memory_space<vmem>>) dst(%dma_wait3A_27 : memref<256x64xf32, #tpu.memory_space<hbm>>)
    %add3A_28 = arith.constant 25088 : i32
    %add3A_29 = arith.addi %mul3A_2, %add3A_28 : i32
    %dma_wait3A_30 = arith.constant 0 : i32
    %dma_wait3A_31 = tpu.memref_slice %arg4[%add3A_29, %dma_wait3A_30] : memref<819200x64xf32, #tpu.memory_space<hbm>> -> memref<256x64xf32, #tpu.memory_space<hbm>>
    %dma_wait3A_32 = arith.constant 0 : i32
    %dma_wait3A_33 = tpu.memref_slice %arg4[%add3A_29, %dma_wait3A_32] : memref<819200x64xf32, #tpu.memory_space<hbm>> -> memref<256x64xf32, #tpu.memory_space<hbm>>
    tpu.wait_dma2 semaphore(%arg16 : memref<!tpu.dma_semaphore, #tpu.memory_space<semaphore_mem>>) src(%arg8 : memref<256x64xf32, #tpu.memory_space<vmem>>) dst(%dma_wait3A_33 : memref<256x64xf32, #tpu.memory_space<hbm>>)
    %add3A_34 = arith.constant 25344 : i32
    %add3A_35 = arith.addi %mul3A_2, %add3A_34 : i32
    %dma_wait3A_36 = arith.constant 0 : i32
    %dma_wait3A_37 = tpu.memref_slice %arg4[%add3A_35, %dma_wait3A_36] : memref<819200x64xf32, #tpu.memory_space<hbm>> -> memref<256x64xf32, #tpu.memory_space<hbm>>
    %dma_wait3A_38 = arith.constant 0 : i32
    %dma_wait3A_39 = tpu.memref_slice %arg4[%add3A_35, %dma_wait3A_38] : memref<819200x64xf32, #tpu.memory_space<hbm>> -> memref<256x64xf32, #tpu.memory_space<hbm>>
    tpu.wait_dma2 semaphore(%arg17 : memref<!tpu.dma_semaphore, #tpu.memory_space<semaphore_mem>>) src(%arg9 : memref<256x64xf32, #tpu.memory_space<vmem>>) dst(%dma_wait3A_39 : memref<256x64xf32, #tpu.memory_space<hbm>>)
    return
  }
}

module attributes {stable_mosaic.version = 14 : i64} {
  func.func @_out_relayout_body(%arg0: i32, %arg1: memref<4096x64xf32, #tpu.memory_space<vmem>>, %arg2: memref<64x64xf32, #tpu.memory_space<vmem>>, %arg3: memref<64x4096xf32, #tpu.memory_space<vmem>>) attributes {dimension_semantics = [#tpu.dimension_semantics<arbitrary>], iteration_bounds = array<i64: 200>, scalar_prefetch = 0 : i64, scratch_operands = 0 : i64, tpu.core_type = #tpu.core_type<tc>, window_params = [{transform_indices = @transform_0, window_bounds = array<i64: 4096, 64>}, {pipeline_mode = #tpu.pipeline_mode<synchronous>, transform_indices = @transform_1, window_bounds = array<i64: 64, 64>}, {transform_indices = @transform_2, window_bounds = array<i64: 64, 4096>}]} {
    %get3A = arith.constant 0 : index
    %get3A_0 = arith.constant 0 : index
    %get3A_1 = vector.load %arg2[%get3A, %get3A_0] : memref<64x64xf32, #tpu.memory_space<vmem>>, vector<64x64xf32>
    %get3A_2 = arith.constant 0 : index
    %get3A_3 = arith.constant 0 : index
    %get3A_4 = vector.load %arg1[%get3A_2, %get3A_3] : memref<4096x64xf32, #tpu.memory_space<vmem>>, vector<4096x64xf32>
    %dot_general3A = arith.constant dense<0.000000e+00> : vector<64x4096xf32>
    %dot_general3A_5 = tpu.matmul %get3A_1, %get3A_4, %dot_general3A {dimension_numbers = #tpu.dot_dimension_numbers<[1], [1], [0], [0], [0, 0, 1, 0], [], []>, transpose_lhs_hint = false} : vector<64x64xf32>, vector<4096x64xf32>, vector<64x4096xf32> -> vector<64x4096xf32>
    %swap3A = arith.constant 0 : index
    %swap3A_6 = arith.constant 0 : index
    %swap3A_7 = vector.load %arg3[%swap3A, %swap3A_6] : memref<64x4096xf32, #tpu.memory_space<vmem>>, vector<64x4096xf32>
    tpu.vector_store %arg3[%swap3A, %swap3A_6], %dot_general3A_5 {strides = array<i32>} : memref<64x4096xf32, #tpu.memory_space<vmem>>, vector<64x4096xf32>,
    return
  }
  func.func @transform_0(%arg0: i32) -> (i32, i32) {
    %c0_i32 = arith.constant 0 : i32
    %c0_i32_0 = arith.constant 0 : i32
    return %arg0, %c0_i32 : i32, i32
  }
  func.func @transform_1(%arg0: i32) -> (i32, i32) {
    %c0_i32 = arith.constant 0 : i32
    %c0_i32_0 = arith.constant 0 : i32
    %c0_i32_1 = arith.constant 0 : i32
    return %c0_i32, %c0_i32_0 : i32, i32
  }
  func.func @transform_2(%arg0: i32) -> (i32, i32) {
    %c0_i32 = arith.constant 0 : i32
    %c0_i32_0 = arith.constant 0 : i32
    return %arg0, %c0_i32 : i32, i32
  }
}

</mosaic_0001>

<sc_bundles>
// kernel: kernel.4.cloned.1.call-start
scs
__scs_entry_jumppad:
0x0: {  	(pc) =	sbr.rel $0x88, $3  }
0x1: {  	(tag) =	ssettag $0x0;
	lr =	simm.s32 $0x1  }
0x2: {  	[smem:$0x3F9F] =	sst lr;
	_ =	strace $0xD0000000  }
0x3: {  	_ = 	snop  }
0x4: {  	_ = 	snop  }
0x5: {  	_ = 	snop  }
0x6: {  	_ = 	snop  }
0x7: {  	_ = 	snop  }
__scs_overlays_trampoline_lowered:
0x8: {  	[smem:$0x3FAE] =	sst s0  }
0x9: {  	[smem:$0x3FAF] =	sst s1  }
0xa: {  	[smem:$0x3FB0] =	sst s2  }
0xb: {  	[smem:$0x3FB1] =	sst s3  }
0xc: {  	[smem:$0x3FB2] =	sst s4  }
0xd: {  	[smem:$0x3FB3] =	sst s5  }
0xe: {  	[smem:$0x3FB4] =	sst s6  }
0xf: {  	[smem:$0x3FB5] =	sst s7  }
0x10: {  	[smem:$0x3FB6] =	sst s8  }
0x11: {  	[smem:$0x3FB7] =	sst s9;
	s0 =	simm.s32 @!p0 $0x0  }
0x12: {  	s1 =	sld [smem:$0x3F9D];
	s0 =	simm.s32 @p0 $0x1  }
0x13: {  	[smem:$0x3FB8] =	sst s0;
	s0 =	simm.s32 @!p1 $0x0  }
0x14: {  	s2 =	sld [smem:$0x3F9C];
	s0 =	simm.s32 @p1 $0x1  }
0x15: {  	[smem:$0x3FB9] =	sst s0;
	s0 =	simm.s32 @!p2 $0x0  }
0x16: {  	s3 =	sld [smem:$0x3FDB];
	s0 =	simm.s32 @p2 $0x1  }
0x17: {  	s4 =	simm.s32 $0x1BF5;
	[smem:$0x3FBB] =	sst s0  }
0x18: {  	s0 =	sld [smem:$0x3F9E];
	_ =	swait.ge [sflag:s4], $0x0  }
0x19: {  	s7 =	sld [smem:$0x3F9F]  }
0x1a: {  	s8 =	sadd.s32 $0xFFFFE003, lr  }
0x1b: {  	s9 =	sadd.s32 $0xFFFFFEF7, lr;
	s5 =	simm.s32 $0xFFFFFFFF;
	p2 =	slt.u32 s8, $0xFFFFF086  }
0x1c: {  	p1 =	slt.u32 s9, $0xF7A;
	s5 =	simm.s32 @!p2 $0x0  }
0x1d: {  	s5 =	simm.s32 @p1 $0x1;
	p0 =	seq.s32 s7, s2  }
0x1e: {  	s7 =	smul.u32 @!p0 $0xF7A, s2;
	p2 =	seq.s32 @!p0 s5, $0x0  }
0x1f: {  	s9 =	smul.u32 $0xF7A, s1;
	s8 =	simm.s32 @!p0 $0x1BF5;
	p2 =	por !p2, p0  }
0x20: {  	[sflag:s8] =	ssyncset.s32 @!p0 $0xFFFFF086;
	s6 =	sadd.s32 @!p0 s3, s7;
	s7 =	simm.s32 @!p0 $0x108  }
0x21: {  	s3 =	sadd.s32 s3, s9;
	s6 =	sadd.s32 @!p0 $0x88, s6;
	s7 =	simm.s32 @p2 $0x1082  }
0x22: {  	[simem:s7], [sflag:s8] =	dma.local @!p0 [hbm:s6], $0xF7A  }
0x23: {  	s9 =	sor.u32 $0xD0000000, s2;
	s6 =	simm.s32 $0x108;
	_ =	swait.ge @!p0 [sflag:s8], $0x0  }
0x24: {  	s3 =	sadd.s32 $0x88, s3;
	s6 =	simm.s32 @!p1 $0x1082;
	[sflag:s4] =	ssyncset.s32 $0xFFFFF086  }
0x25: {  	[simem:s6], [sflag:s4] =	dma.local [hbm:s3], $0xF7A  }
0x26: {  	[smem:$0x3F9F] =	sst s1;
	(tag) =	ssettag s2;
	_ =	strace s9  }
0x27: {  	s1 =	sld [smem:$0x3FAF]  }
0x28: {  	s2 =	sld [smem:$0x3FB0]  }
0x29: {  	s4 =	sld [smem:$0x3FB2]  }
0x2a: {  	p0 =	seq.s32 s5, $0x0;
	s5 =	sld [smem:$0x3FB3]  }
0x2b: {  	s6 =	sld [smem:$0x3FB4]  }
0x2c: {  	s7 =	sld [smem:$0x3FB5]  }
0x2d: {  	s3 =	simm.s32 $0x108;
	s8 =	sld [smem:$0x3FB6]  }
0x2e: {  	s3 =	simm.s32 @!p0 $0x1082;
	s9 =	sld [smem:$0x3FB7]  }
0x2f: {  	lr =	sadd.s32 s0, s3;
	s0 =	sld [smem:$0x3FAE]  }
0x30: {  	s3 =	sld [smem:$0x3FB1]  }
0x31: {  	[smem:$0x3FBA] =	sst s10  }
0x32: {  	s10 =	sld [smem:$0x3FB8];
	_ =	sdelay $0x3  }
0x33: {  	p0 =	seq.s32 s10, $0x1;
	s10 =	sld [smem:$0x3FBA];
	_ =	sdelay $0x3  }
0x34: {  	[smem:$0x3FBA] =	sst s10  }
0x35: {  	s10 =	sld [smem:$0x3FB9];
	_ =	sdelay $0x3  }
0x36: {  	p1 =	seq.s32 s10, $0x1;
	s10 =	sld [smem:$0x3FBA];
	_ =	sdelay $0x3  }
0x37: {  	[smem:$0x3FBA] =	sst s10  }
0x38: {  	s10 =	sld [smem:$0x3FBB]  }
0x39: {  	_ = 	snop;
	(pc) =	sbr.ind lr, $3  }
0x3a: {  	_ = 	snop  }
0x3b: {  	_ = 	snop  }
0x3c: {  	p2 =	seq.s32 s10, $0x1;
	s10 =	sld [smem:$0x3FBA]  }
0x3d: {  	_ =	shalt  }
0x3e: {  	_ =	shalt  }
0x3f: {  	_ =	shalt  }
0x40: {  	_ =	shalt  }
0x41: {  	_ =	shalt  }
0x42: {  	_ =	shalt  }
0x43: {  	_ =	shalt  }
0x44: {  	_ =	shalt  }
0x45: {  	_ =	shalt  }
0x46: {  	_ =	shalt  }
0x47: {  	_ =	shalt  }
0x48: {  	_ =	shalt  }
0x49: {  	_ =	shalt  }
0x4a: {  	_ =	shalt  }
0x4b: {  	_ =	shalt  }
0x4c: {  	_ =	shalt  }
0x4d: {  	_ =	shalt  }
0x4e: {  	_ =	shalt  }
0x4f: {  	_ =	shalt  }
0x50: {  	_ =	shalt  }
0x51: {  	_ =	shalt  }
0x52: {  	_ =	shalt  }
0x53: {  	_ =	shalt  }
0x54: {  	_ =	shalt  }
0x55: {  	_ =	shalt  }
0x56: {  	_ =	shalt  }
0x57: {  	_ =	shalt  }
0x58: {  	_ =	shalt  }
0x59: {  	_ =	shalt  }
0x5a: {  	_ =	shalt  }
0x5b: {  	_ =	shalt  }
0x5c: {  	_ =	shalt  }
0x5d: {  	_ =	shalt  }
0x5e: {  	_ =	shalt  }
0x5f: {  	_ =	shalt  }
0x60: {  	_ =	shalt  }
0x61: {  	_ =	shalt  }
0x62: {  	_ =	shalt  }
0x63: {  	_ =	shalt  }
0x64: {  	_ =	shalt  }
0x65: {  	_ =	shalt  }
0x66: {  	_ =	shalt  }
0x67: {  	_ =	shalt  }
0x68: {  	_ =	shalt  }
0x69: {  	_ =	shalt  }
0x6a: {  	_ =	shalt  }
0x6b: {  	_ =	shalt  }
0x6c: {  	_ =	shalt  }
0x6d: {  	_ =	shalt  }
0x6e: {  	_ =	shalt  }
0x6f: {  	_ =	shalt  }
0x70: {  	_ =	shalt  }
0x71: {  	_ =	shalt  }
0x72: {  	_ =	shalt  }
0x73: {  	_ =	shalt  }
0x74: {  	_ =	shalt  }
0x75: {  	_ =	shalt  }
0x76: {  	_ =	shalt  }
0x77: {  	_ =	shalt  }
0x78: {  	_ =	shalt  }
0x79: {  	_ =	shalt  }
0x7a: {  	_ =	shalt  }
0x7b: {  	_ =	shalt  }
0x7c: {  	_ =	shalt  }
0x7d: {  	_ =	shalt  }
0x7e: {  	_ =	shalt  }
0x7f: {  	_ =	shalt  }
0x80: {  	_ =	shalt  }
0x81: {  	_ =	shalt  }
0x82: {  	_ =	shalt  }
0x83: {  	_ =	shalt  }
0x84: {  	_ =	shalt  }
0x85: {  	_ =	shalt  }
0x86: {  	_ =	shalt  }
0x87: {  	_ =	shalt  }
.Lfunc_end0:
.L_simem_size_0:
called_computation_lowered:
.L_overlay_start_0:
0x88: {  	s2 =	sld [smem:$0x3FD9]  }
0x89: {  	s3 =	sld [smem:$0x3FFE];
	_ =	sdelay $0x1  }
0x8a: {  	s1 =	srdreg.scid  }
0x8b: {  	s0 =	sand.u32 $0x1, s1  }
0x8c: {  	s17 =	sshll.u32 s0, $0xA;
	s2 =	sadd.s32 s3, s2  }
0x8d: {  	s2 =	sadd.s32 s2, s17  }
0x8e: {  	[smem:$0x3FC6] =	sst s2  }
0x8f: {  	_ = 	snop  }
0x90: {  	s2 =	sld [smem:$0x3FD0];
	(tm) =	ssettm $0x1  }
0x91: {  	s18 =	sld [smem:$0x3FFB];
	_ =	sdelay $0x3  }
0x92: {  	_ =	strace s18  }
0x93: {  	s3 =	sld [smem:$0x3FFC];
	_ =	sdelay $0x3  }
0x94: {  	_ =	strace s3  }
0x95: {  	s3 =	sld [smem:$0x3FFD];
	_ =	sdelay $0x3  }
0x96: {  	_ =	strace s3  }
0x97: {  	_ =	strace $0x8FFFFFFF  }
0x98: {  	s19 =	sld [smem:$0x3FDB];
	_ =	sdelay $0x1  }
0x99: {  	s4 =	simm.s32 $_scs_section_size  }
0x9a: {  	s5 =	simm.s32 $_size__tile_overlayer_lowered;
	s6 =	simm.s32 $_tile_overlayer_lowered  }
0x9b: {  	s22 =	simm.s32 $0x1BFF;
	s21 =	sshll.u32 s6, $0x1;
	s3 =	sadd.s32 s4, s19  }
0x9c: {  	s7 =	simm.s32 $0x0;
	s20 =	sshll.u32 s5, $0x1;
	s5 =	sadd.s32 s21, s3  }
0x9d: {  	[timem:s7], [sflag:s22] =	dma.local [hbm:s5], s20  }
0x9e: {  	_ =	swait.ge [sflag:s22], s20  }
0x9f: {  	s4 =	ssub.s32 $0x0, s20;
	[sflag:s22] =	ssyncset.done $0x0  }
0xa0: {  	[sflag:s22] =	ssyncadd.s32 s4;
	_ =	sdelay $0x1  }
0xa1: {  	s23 =	simm.s32 $0x1B8B  }
0xa2: {  	_ =	swait.ge [sflag:s23], $0x1  }
0xa3: {  	[sflag:s23] =	ssyncset.done $0x0  }
0xa4: {  	s25 =	simm.s32 $0x1B8E;
	s24 =	sld [smem:$0x3FFE];
	[sflag:s23] =	ssyncadd.s32 $0xFFFFFFFF  }
0xa5: {  	s26 =	simm.s32 $execute0_lowered;
	[smem:$0x3FD2] =	sst s25  }
0xa6: {  	s5 =	sshll.u32 s26, $0x1;
	_ =	strace $0x80000046;
	[dreg:$0x1] =	wrdreg $0xFFFFFFFF  }
0xa7: {  	s28 =	simm.s32 $_size_execute0_lowered;
	s3 =	sadd.s32 s3, s5;
	[dreg:$0x0] =	wrdreg $0x0  }
0xa8: {  	s5 =	sshll.u32 s28, $0x1;
	[dreg:$0x2] =	wrdreg s3  }
0xa9: {  	[dreg:$0x3] =	wrdreg s5  }
0xaa: {  	[dreg:$0x4] =	wrdreg $0xC0  }
0xab: {  	_ =	task [dreg:s7], $0x5FFFF  }
0xac: {  	[dreg:$0x1] =	wrdreg $0xFFFFFFFF  }
0xad: {  	[dreg:$0x0] =	wrdreg $0x60  }
0xae: {  	[dreg:$0x2] =	wrdreg s24  }
0xaf: {  	[dreg:$0x3] =	wrdreg s2  }
0xb0: {  	[dreg:$0x4] =	wrdreg $0x9  }
0xb1: {  	_ =	task.clear_ibuf [dreg:s7], $0x5FFFF;
	_ =	strace $0x90000046  }
0xb2: {  	s29 =	simm.s32 $0x9;
	_ =	strace $0x80000048  }
0xb3: {  	_ =	swait.ge [sflag:s29], $0x1  }
0xb4: {  	[sflag:s29] =	ssyncadd.s32 $0xFFFFFFFF  }
0xb5: {  	_ =	strace $0x90000048  }
0xb6: {  	_ =	sfence  }
0xb7: {  	s30 =	sld [smem:$0x0];
	_ =	sdelay $0x2  }
0xb8: {  	s31 =	sshll.u32 s1, $0xD;
	s1 =	sshrl.u32 s1, $0x2  }
0xb9: {  	s3 =	sand.u32 $0x4000, s31;
	s1 =	sadd.s32 s1, s30  }
0xba: {  	s0 =	sor.u32 s3, s0;
	s1 =	sshll.u32 s1, $0x11  }
0xbb: {  	s0 =	sor.u32 s1, s0  }
0xbc: {  	s0 =	sadd.s32 $0x8F2B, s0  }
0xbd: {  	[sflag:s0] =	ssyncadd.remote.s32 $0x1  }
0xbe: {  	_ =	sfence.sel $0xFFFF  }
0xbf: {  	[dreg:$0x0] =	wrdreg $0xFFFFFFFF;
	(pc) =	sbr.abs _section_cstart, $3  }
0xc0: {  	[dreg:$0x1] =	wrdreg $0xFFFFFFFF  }
0xc1: {  	_ =	task.clear_ibuf [dreg:s7], $0x2FFFF;
	_ =	strace $0x9FFFFFFF  }
0xc2: {  	(tm) =	ssettm $0x7FFFFFFF  }
0xc3: {  	_ =	shalt  }
tec
execute0_lowered:
.L_overlay_start_1:
0x0: {  	(tag) =	ssettag $0x1  }
0x1: {  	s4 =	rddreg [dreg:$0x0];
	s1 =	srdreg.scid  }
0x2: {  	s0 =	stileid.u32;
	s2 =	rddreg [dreg:$0x1];
	s3 =	simm.s32 $0x0  }
0x3: {  	s10 =	simm.s32 $0x100;
	s11 =	simm.s32 $0x6400;
	s12 =	simm.s32 $0xA400  }
0x4: {  	s13 =	simm.s32 $0xE400;
	s14 =	simm.s32 $0x1;
	s15 =	simm.s32 $0x12400  }
0x5: {  	s16 =	simm.s32 $0x2;
	s17 =	simm.s32 $0x3;
	s18 =	simm.s32 $0x4  }
0x6: {  	s19 =	simm.s32 $0x5;
	s20 =	simm.s32 $0x6;
	s21 =	simm.s32 $0x7  }
0x7: {  	s22 =	simm.s32 $0x8;
	s5 =	sand.u32 $0x1, s1;
	s6 =	sshll.u32 s0, $0x1  }
0x8: {  	s23 =	simm.s32 $0x0;
	s1 =	rddreg [dreg:$0x2];
	s6 =	sor.u32 s5, s6  }
0x9: {  	[smem:$0x7FF] =	sst s3;
	s5 =	ssub.s32 $0x2, s5;
	s7 =	smul.u32 $0xC80, s6  }
0xa: {  	_ =	strace $0x80000047;
	s8 =	smul.u32 $0x32000, s6;
	s9 =	sshrl.u32 s5, $0x1  }
0xb: {  	s6 =	smul.u32 $0x190000, s6;
	s9 =	ssub.s32 s5, s9;
	s7 =	sadd.s32 s7, s4  }
0xc: {  	s4 =	sadd.s32 $0xF42C00, s4;
	s8 =	sadd.s32 s8, s2;
	s5 =	sadd.s32 $0x800, s7  }
0xd: {  	s7 =	smax.u32 s9, $0x1;
	s8 =	sadd.s32 $0x800, s8;
	s9 =	simm.s32 $0x9  }
.LBB2_1:
0xe: {  	[tilespmem:s3], [sflag:$0x9] =	stream.linear.gather [hbm4b:s5+s3], $0x6400, $0x38;
	[tilespmem:$0x16400] =	vst v63  }
0xf: {  	_ =	swait.ge [sflag:s9], $0x6400  }
0x10: {  	[sflag:s9] =	ssyncset.done $0x0  }
0x11: {  	[sflag:s9] =	ssyncadd.s32 $0xFFFF9C00  }
0x12: {  	[tilespmem:s11], [sflag:$0x1] =	stream.indirect.gather [hbm4b:s4+s10], $0x40, s3, s10, $0xb8;
	[tilespmem:$0x16400] =	vst v63  }
0x13: {  	s24 =	simm.s32 $0x0  }
0x14: {  	[tilespmem:s12], [sflag:$0x2] =	stream.indirect.gather [hbm4b:s4+s10], $0x40, s10, s10, $0xb8;
	[tilespmem:$0x16400] =	vst v63  }
.LBB2_2:
0x15: {  	s26 =	sshll.u32 s24, $0x2  }
0x16: {  	s25 =	sadd.s32 $0xFFFFFFFC, s26  }
0x17: {  	p0 =	sgt.u32 s25, $0x5F  }
0x18: {  	s28 =	simm.s32 @!p0 $0x7  }
0x19: {  	s25 =	sor.u32 $0x2, s26;
	_ =	swait.ge @!p0 [sflag:s28], $0x4000  }
0x1a: {  	s29 =	sshll.u32 s25, $0x8;
	[sflag:s28] =	ssyncset.done @!p0 $0x0  }
0x1b: {  	[sflag:s28] =	ssyncadd.s32 @!p0 $0xFFFFC000;
	s28 =	sand.u32 $0x3FFFFF00, s29  }
0x1c: {  	[tilespmem:s13], [sflag:$0x3] =	stream.indirect.gather [hbm4b:s4+s10], $0x40, s28, s10, $0xb8;
	[tilespmem:$0x16400] =	vst v63  }
0x1d: {  	_ =	swait.ge [sflag:s14], $0x4000  }
0x1e: {  	[sflag:s14] =	ssyncset.done $0x0  }
0x1f: {  	s28 =	simm.s32 $0x6500;
	[sflag:s14] =	ssyncadd.s32 $0xFFFFC000  }
0x20: {  	v0 =	vld [tilespmem:s28+$0xFFFFFF00]  }
0x21: {  	v1 =	vld [tilespmem:s28+$0xFFFFFF10]  }
0x22: {  	v2 =	vld [tilespmem:s28+$0xFFFFFF20]  }
0x23: {  	v3 =	vld [tilespmem:s28+$0xFFFFFF30]  }
0x24: {  	v4 =	vld [tilespmem:s28+$0xFFFFFF40]  }
0x25: {  	v5 =	vld [tilespmem:s28+$0xFFFFFF50];
	v0 =	vmul.f32 $8.000000000e+00, v0  }
0x26: {  	v6 =	vld [tilespmem:s28+$0xFFFFFF60];
	v1 =	vmul.f32 $8.000000000e+00, v1  }
0x27: {  	[tilespmem:s28+$0xFFFFFF00] =	vst v0;
	v0 =	vmul.f32 $8.000000000e+00, v2;
	v2 =	vld [tilespmem:s28+$0xFFFFFF70]  }
0x28: {  	[tilespmem:s28+$0xFFFFFF10] =	vst v1;
	v1 =	vmul.f32 $8.000000000e+00, v3;
	v3 =	vld [tilespmem:s28+$0xFFFFFF80]  }
0x29: {  	[tilespmem:s28+$0xFFFFFF20] =	vst v0;
	v0 =	vmul.f32 $8.000000000e+00, v4;
	v4 =	vld [tilespmem:s28+$0xFFFFFF90]  }
0x2a: {  	[tilespmem:s28+$0xFFFFFF30] =	vst v1;
	v1 =	vmul.f32 $8.000000000e+00, v5;
	v5 =	vld [tilespmem:s28+$0xFFFFFFA0]  }
0x2b: {  	[tilespmem:s28+$0xFFFFFF40] =	vst v0;
	v0 =	vmul.f32 $8.000000000e+00, v6;
	v6 =	vld [tilespmem:s28+$0xFFFFFFB0]  }
0x2c: {  	[tilespmem:s28+$0xFFFFFF50] =	vst v1;
	v1 =	vmul.f32 $8.000000000e+00, v2;
	v2 =	vld [tilespmem:s28+$0xFFFFFFC0]  }
0x2d: {  	[tilespmem:s28+$0xFFFFFF60] =	vst v0;
	v0 =	vmul.f32 $8.000000000e+00, v3;
	v3 =	vld [tilespmem:s28+$0xFFFFFFD0]  }
0x2e: {  	[tilespmem:s28+$0xFFFFFF70] =	vst v1;
	v1 =	vmul.f32 $8.000000000e+00, v4;
	v4 =	vld [tilespmem:s28+$0xFFFFFFE0]  }
0x2f: {  	[tilespmem:s28+$0xFFFFFF80] =	vst v0;
	v0 =	vmul.f32 $8.000000000e+00, v5;
	v5 =	vld [tilespmem:s28+$0x0]  }
0x30: {  	[tilespmem:s28+$0xFFFFFF90] =	vst v1;
	v1 =	vmul.f32 $8.000000000e+00, v6;
	v6 =	vld [tilespmem:s28+$0x10]  }
0x31: {  	[tilespmem:s28+$0xFFFFFFA0] =	vst v0;
	v0 =	vmul.f32 $8.000000000e+00, v2;
	v2 =	vld [tilespmem:s28+$0x20]  }
0x32: {  	[tilespmem:s28+$0xFFFFFFB0] =	vst v1;
	v1 =	vmul.f32 $8.000000000e+00, v3;
	v3 =	vld [tilespmem:s28+$0x30]  }
0x33: {  	[tilespmem:s28+$0xFFFFFFC0] =	vst v0;
	v0 =	vmul.f32 $8.000000000e+00, v4;
	v4 =	vld [tilespmem:s28+$0x40]  }
0x34: {  	[tilespmem:s28+$0xFFFFFFD0] =	vst v1;
	v1 =	vmul.f32 $8.000000000e+00, v5;
	v5 =	vld [tilespmem:s28+$0x50]  }
0x35: {  	[tilespmem:s28+$0xFFFFFFE0] =	vst v0;
	v0 =	vmul.f32 $8.000000000e+00, v6;
	v6 =	vld [tilespmem:s28+$0x60]  }
0x36: {  	[tilespmem:s28+$0x0] =	vst v1;
	v1 =	vmul.f32 $8.000000000e+00, v2;
	v2 =	vld [tilespmem:s28+$0x70]  }
0x37: {  	[tilespmem:s28+$0x10] =	vst v0;
	v0 =	vmul.f32 $8.000000000e+00, v3;
	v3 =	vld [tilespmem:s28+$0x80]  }
0x38: {  	[tilespmem:s28+$0x20] =	vst v1;
	v1 =	vmul.f32 $8.000000000e+00, v4;
	v4 =	vld [tilespmem:s28+$0x90]  }
0x39: {  	[tilespmem:s28+$0x30] =	vst v0;
	v0 =	vmul.f32 $8.000000000e+00, v5;
	v5 =	vld [tilespmem:s28+$0xA0]  }
0x3a: {  	[tilespmem:s28+$0x40] =	vst v1;
	v1 =	vmul.f32 $8.000000000e+00, v6;
	v6 =	vld [tilespmem:s28+$0xB0]  }
0x3b: {  	[tilespmem:s28+$0x50] =	vst v0;
	v2 =	vmul.f32 $8.000000000e+00, v2;
	v0 =	vld [tilespmem:s28+$0xC0]  }
0x3c: {  	[tilespmem:s28+$0x60] =	vst v1;
	v3 =	vmul.f32 $8.000000000e+00, v3;
	v1 =	vld [tilespmem:s28+$0xD0]  }
0x3d: {  	[tilespmem:s28+$0x70] =	vst v2;
	v7 =	vmul.f32 $8.000000000e+00, v4;
	v2 =	vld [tilespmem:s28+$0xE0]  }
0x3e: {  	[tilespmem:s28+$0x80] =	vst v3;
	v3 =	vld [tilespmem:s28+$0xF0];
	v5 =	vmul.f32 $8.000000000e+00, v5  }
0x3f: {  	s30 =	simm.s32 $0x6700;
	s29 =	simm.s32 $0x0;
	v4 =	vld [tilespmem:s28+$0xFFFFFFF0];
	[tilespmem:s28+$0x90] =	vst v7;
	v6 =	vmul.f32 $8.000000000e+00, v6  }
.LBB2_3:
0x40: {  	v7 =	vld [tilespmem:s30+$0xFFFFFF00];
	[tilespmem:s28+$0xA0] =	vst v5;
	v0 =	vmul.f32 $8.000000000e+00, v0  }
0x41: {  	v5 =	vld [tilespmem:s30+$0xFFFFFF10];
	[tilespmem:s28+$0xB0] =	vst v6;
	v1 =	vmul.f32 $8.000000000e+00, v1  }
0x42: {  	v6 =	vld [tilespmem:s30+$0xFFFFFF20];
	[tilespmem:s28+$0xC0] =	vst v0;
	v0 =	vmul.f32 $8.000000000e+00, v2  }
0x43: {  	v2 =	vld [tilespmem:s30+$0xFFFFFF30];
	[tilespmem:s28+$0xD0] =	vst v1;
	v1 =	vmul.f32 $8.000000000e+00, v3  }
0x44: {  	v3 =	vld [tilespmem:s30+$0xFFFFFF40];
	v4 =	vmul.f32 $8.000000000e+00, v4;
	[tilespmem:s28+$0xE0] =	vst v0  }
0x45: {  	v0 =	vmul.f32 $8.000000000e+00, v7;
	v7 =	vld [tilespmem:s30+$0xFFFFFF50];
	[tilespmem:s28+$0xF0] =	vst v1  }
0x46: {  	v1 =	vmul.f32 $8.000000000e+00, v5;
	v5 =	vld [tilespmem:s30+$0xFFFFFF60];
	[tilespmem:s28+$0xFFFFFFF0] =	vst v4;
	s28 =	smov.u32 s30  }
0x47: {  	[tilespmem:s30+$0xFFFFFF00] =	vst v0;
	v0 =	vmul.f32 $8.000000000e+00, v6;
	v4 =	vld [tilespmem:s30+$0xFFFFFF70]  }
0x48: {  	[tilespmem:s30+$0xFFFFFF10] =	vst v1;
	v1 =	vmul.f32 $8.000000000e+00, v2;
	v2 =	vld [tilespmem:s30+$0xFFFFFF80]  }
0x49: {  	[tilespmem:s30+$0xFFFFFF20] =	vst v0;
	v0 =	vmul.f32 $8.000000000e+00, v3;
	v3 =	vld [tilespmem:s30+$0xFFFFFF90]  }
0x4a: {  	[tilespmem:s30+$0xFFFFFF30] =	vst v1;
	v1 =	vmul.f32 $8.000000000e+00, v7;
	v6 =	vld [tilespmem:s30+$0xFFFFFFA0]  }
0x4b: {  	[tilespmem:s30+$0xFFFFFF40] =	vst v0;
	v0 =	vmul.f32 $8.000000000e+00, v5;
	v5 =	vld [tilespmem:s30+$0xFFFFFFB0]  }
0x4c: {  	[tilespmem:s30+$0xFFFFFF50] =	vst v1;
	v1 =	vmul.f32 $8.000000000e+00, v4;
	v4 =	vld [tilespmem:s30+$0xFFFFFFC0]  }
0x4d: {  	[tilespmem:s30+$0xFFFFFF60] =	vst v0;
	v0 =	vmul.f32 $8.000000000e+00, v2;
	v2 =	vld [tilespmem:s30+$0xFFFFFFD0]  }
0x4e: {  	[tilespmem:s30+$0xFFFFFF70] =	vst v1;
	v1 =	vmul.f32 $8.000000000e+00, v3;
	v3 =	vld [tilespmem:s30+$0xFFFFFFE0]  }
0x4f: {  	[tilespmem:s30+$0xFFFFFF80] =	vst v0;
	v0 =	vmul.f32 $8.000000000e+00, v6;
	v6 =	vld [tilespmem:s30+$0x0]  }
0x50: {  	[tilespmem:s30+$0xFFFFFF90] =	vst v1;
	v1 =	vmul.f32 $8.000000000e+00, v5;
	v5 =	vld [tilespmem:s30+$0x10]  }
0x51: {  	[tilespmem:s30+$0xFFFFFFA0] =	vst v0;
	v0 =	vmul.f32 $8.000000000e+00, v4;
	v4 =	vld [tilespmem:s30+$0x20]  }
0x52: {  	[tilespmem:s30+$0xFFFFFFB0] =	vst v1;
	v1 =	vmul.f32 $8.000000000e+00, v2;
	v2 =	vld [tilespmem:s30+$0x30]  }
0x53: {  	[tilespmem:s30+$0xFFFFFFC0] =	vst v0;
	v0 =	vmul.f32 $8.000000000e+00, v3;
	v3 =	vld [tilespmem:s30+$0x40]  }
0x54: {  	[tilespmem:s30+$0xFFFFFFD0] =	vst v1;
	v1 =	vmul.f32 $8.000000000e+00, v6;
	v6 =	vld [tilespmem:s30+$0x50]  }
0x55: {  	[tilespmem:s30+$0xFFFFFFE0] =	vst v0;
	v0 =	vmul.f32 $8.000000000e+00, v5;
	v5 =	vld [tilespmem:s30+$0x60]  }
0x56: {  	[tilespmem:s30+$0x0] =	vst v1;
	v1 =	vmul.f32 $8.000000000e+00, v4;
	v4 =	vld [tilespmem:s30+$0x70]  }
0x57: {  	[tilespmem:s30+$0x10] =	vst v0;
	v0 =	vmul.f32 $8.000000000e+00, v2;
	v2 =	vld [tilespmem:s30+$0x80]  }
0x58: {  	[tilespmem:s30+$0x20] =	vst v1;
	v1 =	vmul.f32 $8.000000000e+00, v3;
	v3 =	vld [tilespmem:s30+$0x90]  }
0x59: {  	s29 =	sadd.s32 $0x8, s29;
	[tilespmem:s30+$0x30] =	vst v0;
	v0 =	vmul.f32 $8.000000000e+00, v6;
	v6 =	vld [tilespmem:s30+$0xA0]  }
0x5a: {  	p0 =	slt.u32 s29, $0xF8;
	[tilespmem:s30+$0x40] =	vst v1;
	v1 =	vmul.f32 $8.000000000e+00, v5;
	v7 =	vld [tilespmem:s30+$0xB0]  }
.Ltmp0:
0x5b: {  	[tilespmem:s30+$0x50] =	vst v0;
	v4 =	vmul.f32 $8.000000000e+00, v4;
	v0 =	vld [tilespmem:s30+$0xC0];
	(pc) =	sbr.rel @p0 .LBB2_3-.Ltmp0, $4  }
0x5c: {  	[tilespmem:s30+$0x60] =	vst v1;
	v5 =	vmul.f32 $8.000000000e+00, v2;
	v1 =	vld [tilespmem:s30+$0xD0]  }
0x5d: {  	[tilespmem:s30+$0x70] =	vst v4;
	v8 =	vmul.f32 $8.000000000e+00, v3;
	v2 =	vld [tilespmem:s30+$0xE0]  }
0x5e: {  	[tilespmem:s30+$0x80] =	vst v5;
	v5 =	vmul.f32 $8.000000000e+00, v6;
	v3 =	vld [tilespmem:s30+$0xF0]  }
0x5f: {  	s30 =	sadd.s32 $0x200, s30;
	v4 =	vld [tilespmem:s28+$0xFFFFFFF0];
	[tilespmem:s28+$0x90] =	vst v8;
	v6 =	vmul.f32 $8.000000000e+00, v7  }
0x60: {  	[tilespmem:s28+$0xA0] =	vst v5;
	v0 =	vmul.f32 $8.000000000e+00, v0  }
0x61: {  	[tilespmem:s28+$0xB0] =	vst v6;
	v1 =	vmul.f32 $8.000000000e+00, v1  }
0x62: {  	[tilespmem:s28+$0xC0] =	vst v0;
	v0 =	vmul.f32 $8.000000000e+00, v2  }
0x63: {  	s29 =	sshll.u32 s24, $0x10;
	[tilespmem:s28+$0xD0] =	vst v1;
	v1 =	vmul.f32 $8.000000000e+00, v3  }
0x64: {  	s29 =	sadd.s32 s6, s29;
	v2 =	vmul.f32 $8.000000000e+00, v4;
	[tilespmem:s28+$0xE0] =	vst v0  }
0x65: {  	s29 =	sshrl.u32 s29, $0x3;
	[tilespmem:s28+$0xF0] =	vst v1  }
0x66: {  	p0 =	seq.s32 s24, $0x0;
	[tilespmem:s28+$0xFFFFFFF0] =	vst v2;
	s28 =	sadd.s32 s2, s29  }
0x67: {  	[hbm4b:s28+s3] =	stream.linear.scatter [tilespmem:s11], [sflag:$0x5], $0x4000, $0x38;
	[tilespmem:$0x16400] =	vst v63  }
0x68: {  	s28 =	simm.s32 @!p0 $0x8  }
0x69: {  	s26 =	sor.u32 $0x3, s26;
	_ =	swait.ge @!p0 [sflag:s28], $0x4000  }
0x6a: {  	s29 =	sshll.u32 s26, $0x8;
	[sflag:s28] =	ssyncset.done @!p0 $0x0  }
0x6b: {  	[sflag:s28] =	ssyncadd.s32 @!p0 $0xFFFFC000;
	s28 =	sand.u32 $0x3FFFFF00, s29  }
0x6c: {  	[tilespmem:s15], [sflag:$0x4] =	stream.indirect.gather [hbm4b:s4+s10], $0x40, s28, s10, $0xb8;
	[tilespmem:$0x16400] =	vst v63  }
0x6d: {  	_ =	swait.ge [sflag:s16], $0x4000  }
0x6e: {  	[sflag:s16] =	ssyncset.done $0x0  }
0x6f: {  	s28 =	simm.s32 $0xA500;
	[sflag:s16] =	ssyncadd.s32 $0xFFFFC000  }
0x70: {  	v0 =	vld [tilespmem:s28+$0xFFFFFF00]  }
0x71: {  	v1 =	vld [tilespmem:s28+$0xFFFFFF10]  }
0x72: {  	v2 =	vld [tilespmem:s28+$0xFFFFFF20]  }
0x73: {  	v3 =	vld [tilespmem:s28+$0xFFFFFF30]  }
0x74: {  	v4 =	vld [tilespmem:s28+$0xFFFFFF40]  }
0x75: {  	v5 =	vld [tilespmem:s28+$0xFFFFFF50];
	v0 =	vmul.f32 $8.000000000e+00, v0  }
0x76: {  	v6 =	vld [tilespmem:s28+$0xFFFFFF60];
	v1 =	vmul.f32 $8.000000000e+00, v1  }
0x77: {  	[tilespmem:s28+$0xFFFFFF00] =	vst v0;
	v0 =	vmul.f32 $8.000000000e+00, v2;
	v2 =	vld [tilespmem:s28+$0xFFFFFF70]  }
0x78: {  	[tilespmem:s28+$0xFFFFFF10] =	vst v1;
	v1 =	vmul.f32 $8.000000000e+00, v3;
	v3 =	vld [tilespmem:s28+$0xFFFFFF80]  }
0x79: {  	[tilespmem:s28+$0xFFFFFF20] =	vst v0;
	v0 =	vmul.f32 $8.000000000e+00, v4;
	v4 =	vld [tilespmem:s28+$0xFFFFFF90]  }
0x7a: {  	[tilespmem:s28+$0xFFFFFF30] =	vst v1;
	v1 =	vmul.f32 $8.000000000e+00, v5;
	v5 =	vld [tilespmem:s28+$0xFFFFFFA0]  }
0x7b: {  	[tilespmem:s28+$0xFFFFFF40] =	vst v0;
	v0 =	vmul.f32 $8.000000000e+00, v6;
	v6 =	vld [tilespmem:s28+$0xFFFFFFB0]  }
0x7c: {  	[tilespmem:s28+$0xFFFFFF50] =	vst v1;
	v1 =	vmul.f32 $8.000000000e+00, v2;
	v2 =	vld [tilespmem:s28+$0xFFFFFFC0]  }
0x7d: {  	[tilespmem:s28+$0xFFFFFF60] =	vst v0;
	v0 =	vmul.f32 $8.000000000e+00, v3;
	v3 =	vld [tilespmem:s28+$0xFFFFFFD0]  }
0x7e: {  	[tilespmem:s28+$0xFFFFFF70] =	vst v1;
	v1 =	vmul.f32 $8.000000000e+00, v4;
	v4 =	vld [tilespmem:s28+$0xFFFFFFE0]  }
0x7f: {  	[tilespmem:s28+$0xFFFFFF80] =	vst v0;
	v0 =	vmul.f32 $8.000000000e+00, v5;
	v5 =	vld [tilespmem:s28+$0x0]  }
0x80: {  	[tilespmem:s28+$0xFFFFFF90] =	vst v1;
	v1 =	vmul.f32 $8.000000000e+00, v6;
	v6 =	vld [tilespmem:s28+$0x10]  }
0x81: {  	[tilespmem:s28+$0xFFFFFFA0] =	vst v0;
	v0 =	vmul.f32 $8.000000000e+00, v2;
	v2 =	vld [tilespmem:s28+$0x20]  }
0x82: {  	[tilespmem:s28+$0xFFFFFFB0] =	vst v1;
	v1 =	vmul.f32 $8.000000000e+00, v3;
	v3 =	vld [tilespmem:s28+$0x30]  }
0x83: {  	[tilespmem:s28+$0xFFFFFFC0] =	vst v0;
	v0 =	vmul.f32 $8.000000000e+00, v4;
	v4 =	vld [tilespmem:s28+$0x40]  }
0x84: {  	[tilespmem:s28+$0xFFFFFFD0] =	vst v1;
	v1 =	vmul.f32 $8.000000000e+00, v5;
	v5 =	vld [tilespmem:s28+$0x50]  }
0x85: {  	[tilespmem:s28+$0xFFFFFFE0] =	vst v0;
	v0 =	vmul.f32 $8.000000000e+00, v6;
	v6 =	vld [tilespmem:s28+$0x60]  }
0x86: {  	[tilespmem:s28+$0x0] =	vst v1;
	v1 =	vmul.f32 $8.000000000e+00, v2;
	v2 =	vld [tilespmem:s28+$0x70]  }
0x87: {  	[tilespmem:s28+$0x10] =	vst v0;
	v0 =	vmul.f32 $8.000000000e+00, v3;
	v3 =	vld [tilespmem:s28+$0x80]  }
0x88: {  	[tilespmem:s28+$0x20] =	vst v1;
	v1 =	vmul.f32 $8.000000000e+00, v4;
	v4 =	vld [tilespmem:s28+$0x90]  }
0x89: {  	[tilespmem:s28+$0x30] =	vst v0;
	v0 =	vmul.f32 $8.000000000e+00, v5;
	v5 =	vld [tilespmem:s28+$0xA0]  }
0x8a: {  	[tilespmem:s28+$0x40] =	vst v1;
	v1 =	vmul.f32 $8.000000000e+00, v6;
	v6 =	vld [tilespmem:s28+$0xB0]  }
0x8b: {  	[tilespmem:s28+$0x50] =	vst v0;
	v2 =	vmul.f32 $8.000000000e+00, v2;
	v0 =	vld [tilespmem:s28+$0xC0]  }
0x8c: {  	[tilespmem:s28+$0x60] =	vst v1;
	v3 =	vmul.f32 $8.000000000e+00, v3;
	v1 =	vld [tilespmem:s28+$0xD0]  }
0x8d: {  	[tilespmem:s28+$0x70] =	vst v2;
	v7 =	vmul.f32 $8.000000000e+00, v4;
	v2 =	vld [tilespmem:s28+$0xE0]  }
0x8e: {  	[tilespmem:s28+$0x80] =	vst v3;
	v3 =	vld [tilespmem:s28+$0xF0];
	v5 =	vmul.f32 $8.000000000e+00, v5  }
0x8f: {  	s30 =	simm.s32 $0xA700;
	s29 =	simm.s32 $0x0;
	v4 =	vld [tilespmem:s28+$0xFFFFFFF0];
	[tilespmem:s28+$0x90] =	vst v7;
	v6 =	vmul.f32 $8.000000000e+00, v6  }
.LBB2_5:
0x90: {  	v7 =	vld [tilespmem:s30+$0xFFFFFF00];
	[tilespmem:s28+$0xA0] =	vst v5;
	v0 =	vmul.f32 $8.000000000e+00, v0  }
0x91: {  	v5 =	vld [tilespmem:s30+$0xFFFFFF10];
	[tilespmem:s28+$0xB0] =	vst v6;
	v1 =	vmul.f32 $8.000000000e+00, v1  }
0x92: {  	v6 =	vld [tilespmem:s30+$0xFFFFFF20];
	[tilespmem:s28+$0xC0] =	vst v0;
	v0 =	vmul.f32 $8.000000000e+00, v2  }
0x93: {  	v2 =	vld [tilespmem:s30+$0xFFFFFF30];
	[tilespmem:s28+$0xD0] =	vst v1;
	v1 =	vmul.f32 $8.000000000e+00, v3  }
0x94: {  	v3 =	vld [tilespmem:s30+$0xFFFFFF40];
	v4 =	vmul.f32 $8.000000000e+00, v4;
	[tilespmem:s28+$0xE0] =	vst v0  }
0x95: {  	v0 =	vmul.f32 $8.000000000e+00, v7;
	v7 =	vld [tilespmem:s30+$0xFFFFFF50];
	[tilespmem:s28+$0xF0] =	vst v1  }
0x96: {  	v1 =	vmul.f32 $8.000000000e+00, v5;
	v5 =	vld [tilespmem:s30+$0xFFFFFF60];
	[tilespmem:s28+$0xFFFFFFF0] =	vst v4;
	s28 =	smov.u32 s30  }
0x97: {  	[tilespmem:s30+$0xFFFFFF00] =	vst v0;
	v0 =	vmul.f32 $8.000000000e+00, v6;
	v4 =	vld [tilespmem:s30+$0xFFFFFF70]  }
0x98: {  	[tilespmem:s30+$0xFFFFFF10] =	vst v1;
	v1 =	vmul.f32 $8.000000000e+00, v2;
	v2 =	vld [tilespmem:s30+$0xFFFFFF80]  }
0x99: {  	[tilespmem:s30+$0xFFFFFF20] =	vst v0;
	v0 =	vmul.f32 $8.000000000e+00, v3;
	v3 =	vld [tilespmem:s30+$0xFFFFFF90]  }
0x9a: {  	[tilespmem:s30+$0xFFFFFF30] =	vst v1;
	v1 =	vmul.f32 $8.000000000e+00, v7;
	v6 =	vld [tilespmem:s30+$0xFFFFFFA0]  }
0x9b: {  	[tilespmem:s30+$0xFFFFFF40] =	vst v0;
	v0 =	vmul.f32 $8.000000000e+00, v5;
	v5 =	vld [tilespmem:s30+$0xFFFFFFB0]  }
0x9c: {  	[tilespmem:s30+$0xFFFFFF50] =	vst v1;
	v1 =	vmul.f32 $8.000000000e+00, v4;
	v4 =	vld [tilespmem:s30+$0xFFFFFFC0]  }
0x9d: {  	[tilespmem:s30+$0xFFFFFF60] =	vst v0;
	v0 =	vmul.f32 $8.000000000e+00, v2;
	v2 =	vld [tilespmem:s30+$0xFFFFFFD0]  }
0x9e: {  	[tilespmem:s30+$0xFFFFFF70] =	vst v1;
	v1 =	vmul.f32 $8.000000000e+00, v3;
	v3 =	vld [tilespmem:s30+$0xFFFFFFE0]  }
0x9f: {  	[tilespmem:s30+$0xFFFFFF80] =	vst v0;
	v0 =	vmul.f32 $8.000000000e+00, v6;
	v6 =	vld [tilespmem:s30+$0x0]  }
0xa0: {  	[tilespmem:s30+$0xFFFFFF90] =	vst v1;
	v1 =	vmul.f32 $8.000000000e+00, v5;
	v5 =	vld [tilespmem:s30+$0x10]  }
0xa1: {  	[tilespmem:s30+$0xFFFFFFA0] =	vst v0;
	v0 =	vmul.f32 $8.000000000e+00, v4;
	v4 =	vld [tilespmem:s30+$0x20]  }
0xa2: {  	[tilespmem:s30+$0xFFFFFFB0] =	vst v1;
	v1 =	vmul.f32 $8.000000000e+00, v2;
	v2 =	vld [tilespmem:s30+$0x30]  }
0xa3: {  	[tilespmem:s30+$0xFFFFFFC0] =	vst v0;
	v0 =	vmul.f32 $8.000000000e+00, v3;
	v3 =	vld [tilespmem:s30+$0x40]  }
0xa4: {  	[tilespmem:s30+$0xFFFFFFD0] =	vst v1;
	v1 =	vmul.f32 $8.000000000e+00, v6;
	v6 =	vld [tilespmem:s30+$0x50]  }
0xa5: {  	[tilespmem:s30+$0xFFFFFFE0] =	vst v0;
	v0 =	vmul.f32 $8.000000000e+00, v5;
	v5 =	vld [tilespmem:s30+$0x60]  }
0xa6: {  	[tilespmem:s30+$0x0] =	vst v1;
	v1 =	vmul.f32 $8.000000000e+00, v4;
	v4 =	vld [tilespmem:s30+$0x70]  }
0xa7: {  	[tilespmem:s30+$0x10] =	vst v0;
	v0 =	vmul.f32 $8.000000000e+00, v2;
	v2 =	vld [tilespmem:s30+$0x80]  }
0xa8: {  	[tilespmem:s30+$0x20] =	vst v1;
	v1 =	vmul.f32 $8.000000000e+00, v3;
	v3 =	vld [tilespmem:s30+$0x90]  }
0xa9: {  	s29 =	sadd.s32 $0x8, s29;
	[tilespmem:s30+$0x30] =	vst v0;
	v0 =	vmul.f32 $8.000000000e+00, v6;
	v6 =	vld [tilespmem:s30+$0xA0]  }
0xaa: {  	p0 =	slt.u32 s29, $0xF8;
	[tilespmem:s30+$0x40] =	vst v1;
	v1 =	vmul.f32 $8.000000000e+00, v5;
	v7 =	vld [tilespmem:s30+$0xB0]  }
.Ltmp1:
0xab: {  	[tilespmem:s30+$0x50] =	vst v0;
	v4 =	vmul.f32 $8.000000000e+00, v4;
	v0 =	vld [tilespmem:s30+$0xC0];
	(pc) =	sbr.rel @p0 .LBB2_5-.Ltmp1, $4  }
0xac: {  	[tilespmem:s30+$0x60] =	vst v1;
	v5 =	vmul.f32 $8.000000000e+00, v2;
	v1 =	vld [tilespmem:s30+$0xD0]  }
0xad: {  	[tilespmem:s30+$0x70] =	vst v4;
	v8 =	vmul.f32 $8.000000000e+00, v3;
	v2 =	vld [tilespmem:s30+$0xE0]  }
0xae: {  	[tilespmem:s30+$0x80] =	vst v5;
	v5 =	vmul.f32 $8.000000000e+00, v6;
	v3 =	vld [tilespmem:s30+$0xF0]  }
0xaf: {  	s30 =	sadd.s32 $0x200, s30;
	v4 =	vld [tilespmem:s28+$0xFFFFFFF0];
	[tilespmem:s28+$0x90] =	vst v8;
	v6 =	vmul.f32 $8.000000000e+00, v7  }
0xb0: {  	[tilespmem:s28+$0xA0] =	vst v5;
	v0 =	vmul.f32 $8.000000000e+00, v0  }
0xb1: {  	[tilespmem:s28+$0xB0] =	vst v6;
	v1 =	vmul.f32 $8.000000000e+00, v1  }
0xb2: {  	[tilespmem:s28+$0xC0] =	vst v0;
	v0 =	vmul.f32 $8.000000000e+00, v2  }
0xb3: {  	[tilespmem:s28+$0xD0] =	vst v1;
	v1 =	vmul.f32 $8.000000000e+00, v3  }
0xb4: {  	v2 =	vmul.f32 $8.000000000e+00, v4;
	[tilespmem:s28+$0xE0] =	vst v0  }
0xb5: {  	s29 =	sshll.u32 s24, $0xD;
	[tilespmem:s28+$0xF0] =	vst v1  }
0xb6: {  	p0 =	seq.s32 s24, $0x18;
	[tilespmem:s28+$0xFFFFFFF0] =	vst v2;
	s28 =	sadd.s32 s8, s29  }
0xb7: {  	[hbm4b:s28+s3] =	stream.linear.scatter [tilespmem:s12], [sflag:$0x6], $0x4000, $0x38;
	[tilespmem:$0x16400] =	vst v63  }
0xb8: {  	s28 =	simm.s32 @!p0 $0x5  }
0xb9: {  	_ =	swait.ge @!p0 [sflag:s28], $0x4000  }
0xba: {  	s29 =	sshll.u32 @!p0 s24, $0xA;
	[sflag:s28] =	ssyncset.done @!p0 $0x0  }
0xbb: {  	[sflag:s28] =	ssyncadd.s32 @!p0 $0xFFFFC000;
	s28 =	sand.u32 @!p0 $0x3FFFFC00, s29  }
0xbc: {  	s30 =	simm.s32 @!p0 $0x100;
	s31 =	simm.s32 @!p0 $0x6400;
	s29 =	sadd.s32 @!p0 $0x400, s28  }
0xbd: {  	[tilespmem:s31], [sflag:$0x1] =	stream.indirect.gather @!p0 [hbm4b:s4+s30], $0x40, s29, s30, $0xb8;
	[tilespmem:$0x16400] =	vst v63  }
0xbe: {  	_ =	swait.ge [sflag:s17], $0x4000  }
0xbf: {  	[sflag:s17] =	ssyncset.done $0x0  }
0xc0: {  	s29 =	simm.s32 $0xE500;
	[sflag:s17] =	ssyncadd.s32 $0xFFFFC000  }
0xc1: {  	v0 =	vld [tilespmem:s29+$0xFFFFFF00]  }
0xc2: {  	v1 =	vld [tilespmem:s29+$0xFFFFFF10]  }
0xc3: {  	v2 =	vld [tilespmem:s29+$0xFFFFFF20]  }
0xc4: {  	v3 =	vld [tilespmem:s29+$0xFFFFFF30]  }
0xc5: {  	v4 =	vld [tilespmem:s29+$0xFFFFFF40]  }
0xc6: {  	v5 =	vld [tilespmem:s29+$0xFFFFFF50];
	v0 =	vmul.f32 $8.000000000e+00, v0  }
0xc7: {  	v6 =	vld [tilespmem:s29+$0xFFFFFF60];
	v1 =	vmul.f32 $8.000000000e+00, v1  }
0xc8: {  	[tilespmem:s29+$0xFFFFFF00] =	vst v0;
	v0 =	vmul.f32 $8.000000000e+00, v2;
	v2 =	vld [tilespmem:s29+$0xFFFFFF70]  }
0xc9: {  	[tilespmem:s29+$0xFFFFFF10] =	vst v1;
	v1 =	vmul.f32 $8.000000000e+00, v3;
	v3 =	vld [tilespmem:s29+$0xFFFFFF80]  }
0xca: {  	[tilespmem:s29+$0xFFFFFF20] =	vst v0;
	v0 =	vmul.f32 $8.000000000e+00, v4;
	v4 =	vld [tilespmem:s29+$0xFFFFFF90]  }
0xcb: {  	[tilespmem:s29+$0xFFFFFF30] =	vst v1;
	v1 =	vmul.f32 $8.000000000e+00, v5;
	v5 =	vld [tilespmem:s29+$0xFFFFFFA0]  }
0xcc: {  	[tilespmem:s29+$0xFFFFFF40] =	vst v0;
	v0 =	vmul.f32 $8.000000000e+00, v6;
	v6 =	vld [tilespmem:s29+$0xFFFFFFB0]  }
0xcd: {  	[tilespmem:s29+$0xFFFFFF50] =	vst v1;
	v1 =	vmul.f32 $8.000000000e+00, v2;
	v2 =	vld [tilespmem:s29+$0xFFFFFFC0]  }
0xce: {  	[tilespmem:s29+$0xFFFFFF60] =	vst v0;
	v0 =	vmul.f32 $8.000000000e+00, v3;
	v3 =	vld [tilespmem:s29+$0xFFFFFFD0]  }
0xcf: {  	[tilespmem:s29+$0xFFFFFF70] =	vst v1;
	v1 =	vmul.f32 $8.000000000e+00, v4;
	v4 =	vld [tilespmem:s29+$0xFFFFFFE0]  }
0xd0: {  	[tilespmem:s29+$0xFFFFFF80] =	vst v0;
	v0 =	vmul.f32 $8.000000000e+00, v5;
	v5 =	vld [tilespmem:s29+$0x0]  }
0xd1: {  	[tilespmem:s29+$0xFFFFFF90] =	vst v1;
	v1 =	vmul.f32 $8.000000000e+00, v6;
	v6 =	vld [tilespmem:s29+$0x10]  }
0xd2: {  	[tilespmem:s29+$0xFFFFFFA0] =	vst v0;
	v0 =	vmul.f32 $8.000000000e+00, v2;
	v2 =	vld [tilespmem:s29+$0x20]  }
0xd3: {  	[tilespmem:s29+$0xFFFFFFB0] =	vst v1;
	v1 =	vmul.f32 $8.000000000e+00, v3;
	v3 =	vld [tilespmem:s29+$0x30]  }
0xd4: {  	[tilespmem:s29+$0xFFFFFFC0] =	vst v0;
	v0 =	vmul.f32 $8.000000000e+00, v4;
	v4 =	vld [tilespmem:s29+$0x40]  }
0xd5: {  	[tilespmem:s29+$0xFFFFFFD0] =	vst v1;
	v1 =	vmul.f32 $8.000000000e+00, v5;
	v5 =	vld [tilespmem:s29+$0x50]  }
0xd6: {  	[tilespmem:s29+$0xFFFFFFE0] =	vst v0;
	v0 =	vmul.f32 $8.000000000e+00, v6;
	v6 =	vld [tilespmem:s29+$0x60]  }
0xd7: {  	[tilespmem:s29+$0x0] =	vst v1;
	v1 =	vmul.f32 $8.000000000e+00, v2;
	v2 =	vld [tilespmem:s29+$0x70]  }
0xd8: {  	[tilespmem:s29+$0x10] =	vst v0;
	v0 =	vmul.f32 $8.000000000e+00, v3;
	v3 =	vld [tilespmem:s29+$0x80]  }
0xd9: {  	[tilespmem:s29+$0x20] =	vst v1;
	v1 =	vmul.f32 $8.000000000e+00, v4;
	v4 =	vld [tilespmem:s29+$0x90]  }
0xda: {  	[tilespmem:s29+$0x30] =	vst v0;
	v0 =	vmul.f32 $8.000000000e+00, v5;
	v5 =	vld [tilespmem:s29+$0xA0]  }
0xdb: {  	[tilespmem:s29+$0x40] =	vst v1;
	v1 =	vmul.f32 $8.000000000e+00, v6;
	v6 =	vld [tilespmem:s29+$0xB0]  }
0xdc: {  	[tilespmem:s29+$0x50] =	vst v0;
	v2 =	vmul.f32 $8.000000000e+00, v2;
	v0 =	vld [tilespmem:s29+$0xC0]  }
0xdd: {  	[tilespmem:s29+$0x60] =	vst v1;
	v3 =	vmul.f32 $8.000000000e+00, v3;
	v1 =	vld [tilespmem:s29+$0xD0]  }
0xde: {  	[tilespmem:s29+$0x70] =	vst v2;
	v7 =	vmul.f32 $8.000000000e+00, v4;
	v2 =	vld [tilespmem:s29+$0xE0]  }
0xdf: {  	[tilespmem:s29+$0x80] =	vst v3;
	v3 =	vld [tilespmem:s29+$0xF0];
	v5 =	vmul.f32 $8.000000000e+00, v5  }
0xe0: {  	s30 =	simm.s32 $0x0;
	s31 =	simm.s32 $0xE700;
	v4 =	vld [tilespmem:s29+$0xFFFFFFF0];
	[tilespmem:s29+$0x90] =	vst v7;
	v6 =	vmul.f32 $8.000000000e+00, v6  }
.LBB2_7:
0xe1: {  	v7 =	vld [tilespmem:s31+$0xFFFFFF00];
	[tilespmem:s29+$0xA0] =	vst v5;
	v0 =	vmul.f32 $8.000000000e+00, v0  }
0xe2: {  	v5 =	vld [tilespmem:s31+$0xFFFFFF10];
	[tilespmem:s29+$0xB0] =	vst v6;
	v1 =	vmul.f32 $8.000000000e+00, v1  }
0xe3: {  	v6 =	vld [tilespmem:s31+$0xFFFFFF20];
	[tilespmem:s29+$0xC0] =	vst v0;
	v0 =	vmul.f32 $8.000000000e+00, v2  }
0xe4: {  	v2 =	vld [tilespmem:s31+$0xFFFFFF30];
	[tilespmem:s29+$0xD0] =	vst v1;
	v1 =	vmul.f32 $8.000000000e+00, v3  }
0xe5: {  	v3 =	vld [tilespmem:s31+$0xFFFFFF40];
	v4 =	vmul.f32 $8.000000000e+00, v4;
	[tilespmem:s29+$0xE0] =	vst v0  }
0xe6: {  	v0 =	vmul.f32 $8.000000000e+00, v7;
	v7 =	vld [tilespmem:s31+$0xFFFFFF50];
	[tilespmem:s29+$0xF0] =	vst v1  }
0xe7: {  	v1 =	vmul.f32 $8.000000000e+00, v5;
	v5 =	vld [tilespmem:s31+$0xFFFFFF60];
	[tilespmem:s29+$0xFFFFFFF0] =	vst v4;
	s29 =	smov.u32 s31  }
0xe8: {  	[tilespmem:s31+$0xFFFFFF00] =	vst v0;
	v0 =	vmul.f32 $8.000000000e+00, v6;
	v4 =	vld [tilespmem:s31+$0xFFFFFF70]  }
0xe9: {  	[tilespmem:s31+$0xFFFFFF10] =	vst v1;
	v1 =	vmul.f32 $8.000000000e+00, v2;
	v2 =	vld [tilespmem:s31+$0xFFFFFF80]  }
0xea: {  	[tilespmem:s31+$0xFFFFFF20] =	vst v0;
	v0 =	vmul.f32 $8.000000000e+00, v3;
	v3 =	vld [tilespmem:s31+$0xFFFFFF90]  }
0xeb: {  	[tilespmem:s31+$0xFFFFFF30] =	vst v1;
	v1 =	vmul.f32 $8.000000000e+00, v7;
	v6 =	vld [tilespmem:s31+$0xFFFFFFA0]  }
0xec: {  	[tilespmem:s31+$0xFFFFFF40] =	vst v0;
	v0 =	vmul.f32 $8.000000000e+00, v5;
	v5 =	vld [tilespmem:s31+$0xFFFFFFB0]  }
0xed: {  	[tilespmem:s31+$0xFFFFFF50] =	vst v1;
	v1 =	vmul.f32 $8.000000000e+00, v4;
	v4 =	vld [tilespmem:s31+$0xFFFFFFC0]  }
0xee: {  	[tilespmem:s31+$0xFFFFFF60] =	vst v0;
	v0 =	vmul.f32 $8.000000000e+00, v2;
	v2 =	vld [tilespmem:s31+$0xFFFFFFD0]  }
0xef: {  	[tilespmem:s31+$0xFFFFFF70] =	vst v1;
	v1 =	vmul.f32 $8.000000000e+00, v3;
	v3 =	vld [tilespmem:s31+$0xFFFFFFE0]  }
0xf0: {  	[tilespmem:s31+$0xFFFFFF80] =	vst v0;
	v0 =	vmul.f32 $8.000000000e+00, v6;
	v6 =	vld [tilespmem:s31+$0x0]  }
0xf1: {  	[tilespmem:s31+$0xFFFFFF90] =	vst v1;
	v1 =	vmul.f32 $8.000000000e+00, v5;
	v5 =	vld [tilespmem:s31+$0x10]  }
0xf2: {  	[tilespmem:s31+$0xFFFFFFA0] =	vst v0;
	v0 =	vmul.f32 $8.000000000e+00, v4;
	v4 =	vld [tilespmem:s31+$0x20]  }
0xf3: {  	[tilespmem:s31+$0xFFFFFFB0] =	vst v1;
	v1 =	vmul.f32 $8.000000000e+00, v2;
	v2 =	vld [tilespmem:s31+$0x30]  }
0xf4: {  	[tilespmem:s31+$0xFFFFFFC0] =	vst v0;
	v0 =	vmul.f32 $8.000000000e+00, v3;
	v3 =	vld [tilespmem:s31+$0x40]  }
0xf5: {  	[tilespmem:s31+$0xFFFFFFD0] =	vst v1;
	v1 =	vmul.f32 $8.000000000e+00, v6;
	v6 =	vld [tilespmem:s31+$0x50]  }
0xf6: {  	[tilespmem:s31+$0xFFFFFFE0] =	vst v0;
	v0 =	vmul.f32 $8.000000000e+00, v5;
	v5 =	vld [tilespmem:s31+$0x60]  }
0xf7: {  	[tilespmem:s31+$0x0] =	vst v1;
	v1 =	vmul.f32 $8.000000000e+00, v4;
	v4 =	vld [tilespmem:s31+$0x70]  }
0xf8: {  	[tilespmem:s31+$0x10] =	vst v0;
	v0 =	vmul.f32 $8.000000000e+00, v2;
	v2 =	vld [tilespmem:s31+$0x80]  }
0xf9: {  	[tilespmem:s31+$0x20] =	vst v1;
	v1 =	vmul.f32 $8.000000000e+00, v3;
	v3 =	vld [tilespmem:s31+$0x90]  }
0xfa: {  	s30 =	sadd.s32 $0x8, s30;
	[tilespmem:s31+$0x30] =	vst v0;
	v0 =	vmul.f32 $8.000000000e+00, v6;
	v6 =	vld [tilespmem:s31+$0xA0]  }
0xfb: {  	p1 =	slt.u32 s30, $0xF8;
	[tilespmem:s31+$0x40] =	vst v1;
	v1 =	vmul.f32 $8.000000000e+00, v5;
	v7 =	vld [tilespmem:s31+$0xB0]  }
.Ltmp2:
0xfc: {  	[tilespmem:s31+$0x50] =	vst v0;
	v4 =	vmul.f32 $8.000000000e+00, v4;
	v0 =	vld [tilespmem:s31+$0xC0];
	(pc) =	sbr.rel @p1 .LBB2_7-.Ltmp2, $4  }
0xfd: {  	[tilespmem:s31+$0x60] =	vst v1;
	v5 =	vmul.f32 $8.000000000e+00, v2;
	v1 =	vld [tilespmem:s31+$0xD0]  }
0xfe: {  	[tilespmem:s31+$0x70] =	vst v4;
	v8 =	vmul.f32 $8.000000000e+00, v3;
	v2 =	vld [tilespmem:s31+$0xE0]  }
0xff: {  	[tilespmem:s31+$0x80] =	vst v5;
	v5 =	vmul.f32 $8.000000000e+00, v6;
	v3 =	vld [tilespmem:s31+$0xF0]  }
0x100: {  	s31 =	sadd.s32 $0x200, s31;
	v4 =	vld [tilespmem:s29+$0xFFFFFFF0];
	[tilespmem:s29+$0x90] =	vst v8;
	v6 =	vmul.f32 $8.000000000e+00, v7  }
0x101: {  	[tilespmem:s29+$0xA0] =	vst v5;
	v0 =	vmul.f32 $8.000000000e+00, v0  }
0x102: {  	[tilespmem:s29+$0xB0] =	vst v6;
	v1 =	vmul.f32 $8.000000000e+00, v1  }
0x103: {  	[tilespmem:s29+$0xC0] =	vst v0;
	v0 =	vmul.f32 $8.000000000e+00, v2  }
0x104: {  	s25 =	sshll.u32 s25, $0xE;
	[tilespmem:s29+$0xD0] =	vst v1;
	v1 =	vmul.f32 $8.000000000e+00, v3  }
0x105: {  	s25 =	sadd.s32 s6, s25;
	v2 =	vmul.f32 $8.000000000e+00, v4;
	[tilespmem:s29+$0xE0] =	vst v0  }
0x106: {  	s25 =	sshrl.u32 s25, $0x3;
	[tilespmem:s29+$0xF0] =	vst v1  }
0x107: {  	s25 =	sadd.s32 s2, s25;
	[tilespmem:s29+$0xFFFFFFF0] =	vst v2  }
0x108: {  	[hbm4b:s25+s3] =	stream.linear.scatter [tilespmem:s13], [sflag:$0x7], $0x4000, $0x38;
	[tilespmem:$0x16400] =	vst v63  }
0x109: {  	s25 =	simm.s32 @!p0 $0x6  }
0x10a: {  	_ =	swait.ge @!p0 [sflag:s25], $0x4000  }
0x10b: {  	s29 =	simm.s32 @!p0 $0xA400;
	[sflag:s25] =	ssyncset.done @!p0 $0x0  }
0x10c: {  	[sflag:s25] =	ssyncadd.s32 @!p0 $0xFFFFC000;
	s25 =	sadd.s32 @!p0 $0x500, s28;
	s28 =	simm.s32 @!p0 $0x100  }
0x10d: {  	[tilespmem:s29], [sflag:$0x2] =	stream.indirect.gather @!p0 [hbm4b:s4+s28], $0x40, s25, s28, $0xb8;
	[tilespmem:$0x16400] =	vst v63  }
0x10e: {  	_ =	swait.ge [sflag:s18], $0x4000  }
0x10f: {  	[sflag:s18] =	ssyncset.done $0x0  }
0x110: {  	s25 =	simm.s32 $0x12500;
	[sflag:s18] =	ssyncadd.s32 $0xFFFFC000  }
0x111: {  	v0 =	vld [tilespmem:s25+$0xFFFFFF00]  }
0x112: {  	v1 =	vld [tilespmem:s25+$0xFFFFFF10]  }
0x113: {  	v2 =	vld [tilespmem:s25+$0xFFFFFF20]  }
0x114: {  	v3 =	vld [tilespmem:s25+$0xFFFFFF30]  }
0x115: {  	v4 =	vld [tilespmem:s25+$0xFFFFFF40]  }
0x116: {  	v5 =	vld [tilespmem:s25+$0xFFFFFF50];
	v0 =	vmul.f32 $8.000000000e+00, v0  }
0x117: {  	v6 =	vld [tilespmem:s25+$0xFFFFFF60];
	v1 =	vmul.f32 $8.000000000e+00, v1  }
0x118: {  	[tilespmem:s25+$0xFFFFFF00] =	vst v0;
	v0 =	vmul.f32 $8.000000000e+00, v2;
	v2 =	vld [tilespmem:s25+$0xFFFFFF70]  }
0x119: {  	[tilespmem:s25+$0xFFFFFF10] =	vst v1;
	v1 =	vmul.f32 $8.000000000e+00, v3;
	v3 =	vld [tilespmem:s25+$0xFFFFFF80]  }
0x11a: {  	[tilespmem:s25+$0xFFFFFF20] =	vst v0;
	v0 =	vmul.f32 $8.000000000e+00, v4;
	v4 =	vld [tilespmem:s25+$0xFFFFFF90]  }
0x11b: {  	[tilespmem:s25+$0xFFFFFF30] =	vst v1;
	v1 =	vmul.f32 $8.000000000e+00, v5;
	v5 =	vld [tilespmem:s25+$0xFFFFFFA0]  }
0x11c: {  	[tilespmem:s25+$0xFFFFFF40] =	vst v0;
	v0 =	vmul.f32 $8.000000000e+00, v6;
	v6 =	vld [tilespmem:s25+$0xFFFFFFB0]  }
0x11d: {  	[tilespmem:s25+$0xFFFFFF50] =	vst v1;
	v1 =	vmul.f32 $8.000000000e+00, v2;
	v2 =	vld [tilespmem:s25+$0xFFFFFFC0]  }
0x11e: {  	[tilespmem:s25+$0xFFFFFF60] =	vst v0;
	v0 =	vmul.f32 $8.000000000e+00, v3;
	v3 =	vld [tilespmem:s25+$0xFFFFFFD0]  }
0x11f: {  	[tilespmem:s25+$0xFFFFFF70] =	vst v1;
	v1 =	vmul.f32 $8.000000000e+00, v4;
	v4 =	vld [tilespmem:s25+$0xFFFFFFE0]  }
0x120: {  	[tilespmem:s25+$0xFFFFFF80] =	vst v0;
	v0 =	vmul.f32 $8.000000000e+00, v5;
	v5 =	vld [tilespmem:s25+$0x0]  }
0x121: {  	[tilespmem:s25+$0xFFFFFF90] =	vst v1;
	v1 =	vmul.f32 $8.000000000e+00, v6;
	v6 =	vld [tilespmem:s25+$0x10]  }
0x122: {  	[tilespmem:s25+$0xFFFFFFA0] =	vst v0;
	v0 =	vmul.f32 $8.000000000e+00, v2;
	v2 =	vld [tilespmem:s25+$0x20]  }
0x123: {  	[tilespmem:s25+$0xFFFFFFB0] =	vst v1;
	v1 =	vmul.f32 $8.000000000e+00, v3;
	v3 =	vld [tilespmem:s25+$0x30]  }
0x124: {  	[tilespmem:s25+$0xFFFFFFC0] =	vst v0;
	v0 =	vmul.f32 $8.000000000e+00, v4;
	v4 =	vld [tilespmem:s25+$0x40]  }
0x125: {  	[tilespmem:s25+$0xFFFFFFD0] =	vst v1;
	v1 =	vmul.f32 $8.000000000e+00, v5;
	v5 =	vld [tilespmem:s25+$0x50]  }
0x126: {  	[tilespmem:s25+$0xFFFFFFE0] =	vst v0;
	v0 =	vmul.f32 $8.000000000e+00, v6;
	v6 =	vld [tilespmem:s25+$0x60]  }
0x127: {  	[tilespmem:s25+$0x0] =	vst v1;
	v1 =	vmul.f32 $8.000000000e+00, v2;
	v2 =	vld [tilespmem:s25+$0x70]  }
0x128: {  	[tilespmem:s25+$0x10] =	vst v0;
	v0 =	vmul.f32 $8.000000000e+00, v3;
	v3 =	vld [tilespmem:s25+$0x80]  }
0x129: {  	[tilespmem:s25+$0x20] =	vst v1;
	v1 =	vmul.f32 $8.000000000e+00, v4;
	v4 =	vld [tilespmem:s25+$0x90]  }
0x12a: {  	[tilespmem:s25+$0x30] =	vst v0;
	v0 =	vmul.f32 $8.000000000e+00, v5;
	v5 =	vld [tilespmem:s25+$0xA0]  }
0x12b: {  	[tilespmem:s25+$0x40] =	vst v1;
	v1 =	vmul.f32 $8.000000000e+00, v6;
	v6 =	vld [tilespmem:s25+$0xB0]  }
0x12c: {  	[tilespmem:s25+$0x50] =	vst v0;
	v2 =	vmul.f32 $8.000000000e+00, v2;
	v0 =	vld [tilespmem:s25+$0xC0]  }
0x12d: {  	[tilespmem:s25+$0x60] =	vst v1;
	v3 =	vmul.f32 $8.000000000e+00, v3;
	v1 =	vld [tilespmem:s25+$0xD0]  }
0x12e: {  	[tilespmem:s25+$0x70] =	vst v2;
	v7 =	vmul.f32 $8.000000000e+00, v4;
	v2 =	vld [tilespmem:s25+$0xE0]  }
0x12f: {  	[tilespmem:s25+$0x80] =	vst v3;
	v3 =	vld [tilespmem:s25+$0xF0];
	v5 =	vmul.f32 $8.000000000e+00, v5  }
0x130: {  	s28 =	simm.s32 $0x0;
	s29 =	simm.s32 $0x12700;
	v4 =	vld [tilespmem:s25+$0xFFFFFFF0];
	[tilespmem:s25+$0x90] =	vst v7;
	v6 =	vmul.f32 $8.000000000e+00, v6  }
.LBB2_9:
0x131: {  	v7 =	vld [tilespmem:s29+$0xFFFFFF00];
	[tilespmem:s25+$0xA0] =	vst v5;
	v0 =	vmul.f32 $8.000000000e+00, v0  }
0x132: {  	v5 =	vld [tilespmem:s29+$0xFFFFFF10];
	[tilespmem:s25+$0xB0] =	vst v6;
	v1 =	vmul.f32 $8.000000000e+00, v1  }
0x133: {  	v6 =	vld [tilespmem:s29+$0xFFFFFF20];
	[tilespmem:s25+$0xC0] =	vst v0;
	v0 =	vmul.f32 $8.000000000e+00, v2  }
0x134: {  	v2 =	vld [tilespmem:s29+$0xFFFFFF30];
	[tilespmem:s25+$0xD0] =	vst v1;
	v1 =	vmul.f32 $8.000000000e+00, v3  }
0x135: {  	v3 =	vld [tilespmem:s29+$0xFFFFFF40];
	v4 =	vmul.f32 $8.000000000e+00, v4;
	[tilespmem:s25+$0xE0] =	vst v0  }
0x136: {  	v0 =	vmul.f32 $8.000000000e+00, v7;
	v7 =	vld [tilespmem:s29+$0xFFFFFF50];
	[tilespmem:s25+$0xF0] =	vst v1  }
0x137: {  	v1 =	vmul.f32 $8.000000000e+00, v5;
	v5 =	vld [tilespmem:s29+$0xFFFFFF60];
	[tilespmem:s25+$0xFFFFFFF0] =	vst v4;
	s25 =	smov.u32 s29  }
0x138: {  	[tilespmem:s29+$0xFFFFFF00] =	vst v0;
	v0 =	vmul.f32 $8.000000000e+00, v6;
	v4 =	vld [tilespmem:s29+$0xFFFFFF70]  }
0x139: {  	[tilespmem:s29+$0xFFFFFF10] =	vst v1;
	v1 =	vmul.f32 $8.000000000e+00, v2;
	v2 =	vld [tilespmem:s29+$0xFFFFFF80]  }
0x13a: {  	[tilespmem:s29+$0xFFFFFF20] =	vst v0;
	v0 =	vmul.f32 $8.000000000e+00, v3;
	v3 =	vld [tilespmem:s29+$0xFFFFFF90]  }
0x13b: {  	[tilespmem:s29+$0xFFFFFF30] =	vst v1;
	v1 =	vmul.f32 $8.000000000e+00, v7;
	v6 =	vld [tilespmem:s29+$0xFFFFFFA0]  }
0x13c: {  	[tilespmem:s29+$0xFFFFFF40] =	vst v0;
	v0 =	vmul.f32 $8.000000000e+00, v5;
	v5 =	vld [tilespmem:s29+$0xFFFFFFB0]  }
0x13d: {  	[tilespmem:s29+$0xFFFFFF50] =	vst v1;
	v1 =	vmul.f32 $8.000000000e+00, v4;
	v4 =	vld [tilespmem:s29+$0xFFFFFFC0]  }
0x13e: {  	[tilespmem:s29+$0xFFFFFF60] =	vst v0;
	v0 =	vmul.f32 $8.000000000e+00, v2;
	v2 =	vld [tilespmem:s29+$0xFFFFFFD0]  }
0x13f: {  	[tilespmem:s29+$0xFFFFFF70] =	vst v1;
	v1 =	vmul.f32 $8.000000000e+00, v3;
	v3 =	vld [tilespmem:s29+$0xFFFFFFE0]  }
0x140: {  	[tilespmem:s29+$0xFFFFFF80] =	vst v0;
	v0 =	vmul.f32 $8.000000000e+00, v6;
	v6 =	vld [tilespmem:s29+$0x0]  }
0x141: {  	[tilespmem:s29+$0xFFFFFF90] =	vst v1;
	v1 =	vmul.f32 $8.000000000e+00, v5;
	v5 =	vld [tilespmem:s29+$0x10]  }
0x142: {  	[tilespmem:s29+$0xFFFFFFA0] =	vst v0;
	v0 =	vmul.f32 $8.000000000e+00, v4;
	v4 =	vld [tilespmem:s29+$0x20]  }
0x143: {  	[tilespmem:s29+$0xFFFFFFB0] =	vst v1;
	v1 =	vmul.f32 $8.000000000e+00, v2;
	v2 =	vld [tilespmem:s29+$0x30]  }
0x144: {  	[tilespmem:s29+$0xFFFFFFC0] =	vst v0;
	v0 =	vmul.f32 $8.000000000e+00, v3;
	v3 =	vld [tilespmem:s29+$0x40]  }
0x145: {  	[tilespmem:s29+$0xFFFFFFD0] =	vst v1;
	v1 =	vmul.f32 $8.000000000e+00, v6;
	v6 =	vld [tilespmem:s29+$0x50]  }
0x146: {  	[tilespmem:s29+$0xFFFFFFE0] =	vst v0;
	v0 =	vmul.f32 $8.000000000e+00, v5;
	v5 =	vld [tilespmem:s29+$0x60]  }
0x147: {  	[tilespmem:s29+$0x0] =	vst v1;
	v1 =	vmul.f32 $8.000000000e+00, v4;
	v4 =	vld [tilespmem:s29+$0x70]  }
0x148: {  	[tilespmem:s29+$0x10] =	vst v0;
	v0 =	vmul.f32 $8.000000000e+00, v2;
	v2 =	vld [tilespmem:s29+$0x80]  }
0x149: {  	[tilespmem:s29+$0x20] =	vst v1;
	v1 =	vmul.f32 $8.000000000e+00, v3;
	v3 =	vld [tilespmem:s29+$0x90]  }
0x14a: {  	s28 =	sadd.s32 $0x8, s28;
	[tilespmem:s29+$0x30] =	vst v0;
	v0 =	vmul.f32 $8.000000000e+00, v6;
	v6 =	vld [tilespmem:s29+$0xA0]  }
0x14b: {  	p0 =	slt.u32 s28, $0xF8;
	[tilespmem:s29+$0x40] =	vst v1;
	v1 =	vmul.f32 $8.000000000e+00, v5;
	v7 =	vld [tilespmem:s29+$0xB0]  }
.Ltmp3:
0x14c: {  	[tilespmem:s29+$0x50] =	vst v0;
	v4 =	vmul.f32 $8.000000000e+00, v4;
	v0 =	vld [tilespmem:s29+$0xC0];
	(pc) =	sbr.rel @p0 .LBB2_9-.Ltmp3, $4  }
0x14d: {  	[tilespmem:s29+$0x60] =	vst v1;
	v5 =	vmul.f32 $8.000000000e+00, v2;
	v1 =	vld [tilespmem:s29+$0xD0]  }
0x14e: {  	[tilespmem:s29+$0x70] =	vst v4;
	v8 =	vmul.f32 $8.000000000e+00, v3;
	v2 =	vld [tilespmem:s29+$0xE0]  }
0x14f: {  	[tilespmem:s29+$0x80] =	vst v5;
	v5 =	vmul.f32 $8.000000000e+00, v6;
	v3 =	vld [tilespmem:s29+$0xF0]  }
0x150: {  	s29 =	sadd.s32 $0x200, s29;
	v4 =	vld [tilespmem:s25+$0xFFFFFFF0];
	[tilespmem:s25+$0x90] =	vst v8;
	v6 =	vmul.f32 $8.000000000e+00, v7  }
0x151: {  	[tilespmem:s25+$0xA0] =	vst v5;
	v0 =	vmul.f32 $8.000000000e+00, v0  }
0x152: {  	s24 =	sadd.s32 $0x1, s24;
	[tilespmem:s25+$0xB0] =	vst v6;
	v1 =	vmul.f32 $8.000000000e+00, v1  }
0x153: {  	p0 =	sne.s32 s24, $0x19;
	[tilespmem:s25+$0xC0] =	vst v0;
	v61 =	vmul.f32 $8.000000000e+00, v2  }
.Ltmp4:
0x154: {  	s26 =	sshll.u32 s26, $0xE;
	[tilespmem:s25+$0xD0] =	vst v1;
	v62 =	vmul.f32 $8.000000000e+00, v3;
	(pc) =	sbr.rel @p0 .LBB2_2-.Ltmp4, $4  }
0x155: {  	s26 =	sadd.s32 s6, s26;
	v63 =	vmul.f32 $8.000000000e+00, v4;
	[tilespmem:s25+$0xE0] =	vst v61  }
0x156: {  	s26 =	sshrl.u32 s26, $0x3;
	[tilespmem:s25+$0xF0] =	vst v62  }
0x157: {  	s31 =	sadd.s32 s2, s26;
	[tilespmem:s25+$0xFFFFFFF0] =	vst v63  }
0x158: {  	[hbm4b:s31+s3] =	stream.linear.scatter [tilespmem:s15], [sflag:$0x8], $0x4000, $0x38;
	[tilespmem:$0x16400] =	vst v63  }
0x159: {  	_ =	swait.ge [sflag:s19], $0x4000  }
0x15a: {  	[sflag:s19] =	ssyncset.done $0x0  }
0x15b: {  	[sflag:s19] =	ssyncadd.s32 $0xFFFFC000  }
0x15c: {  	_ =	swait.ge [sflag:s20], $0x4000  }
0x15d: {  	[sflag:s20] =	ssyncset.done $0x0  }
0x15e: {  	s23 =	sadd.s32 $0x1, s23;
	[sflag:s20] =	ssyncadd.s32 $0xFFFFC000  }
0x15f: {  	p0 =	sne.s32 s23, s7;
	_ =	swait.ge [sflag:s21], $0x4000  }
.Ltmp5:
0x160: {  	[sflag:s21] =	ssyncset.done $0x0;
	(pc) =	sbr.rel @p0 .LBB2_1-.Ltmp5, $4  }
0x161: {  	[sflag:s21] =	ssyncadd.s32 $0xFFFFC000  }
0x162: {  	_ =	swait.ge [sflag:s22], $0x4000  }
0x163: {  	[sflag:s22] =	ssyncset.done $0x0  }
0x164: {  	[sflag:s22] =	ssyncadd.s32 $0xFFFFC000  }
0x165: {  	_ =	sfence.sel $0x180000  }
0x166: {  	[bflag:$0x0] =	sbarrier.arrive $0xFFFF  }
0x167: {  	p0 =	sne.s32 s0, $0x0;
	_ =	strace $0x90000047  }
0x168: {  	s0 =	sadd.s32 @!p0 $0x100000, s1;
	[bflag:$0x2] =	sbarrier.arrive $0xFFFF  }
0x169: {  	[sflag:s0] =	ssyncadd.tile.s32 @!p0 $0x1;
	_ =	shalt  }
.Lfunc_end2:
_tile_overlayer_lowered:
.L_overlay_start_2:
0x16a: {  	(tag) =	ssettag $0x2  }
0x16b: {  	s0 =	rddreg [dreg:$0x0];
	s2 =	stileid.u32  }
0x16c: {  	s1 =	rddreg [dreg:$0x1];
	p0 =	sne.s32 s2, $0x0  }
0x16d: {  	s3 =	rddreg [dreg:$0x2];
	[bflag:$0x3] =	sbarrier.arrive $0xFFFF;
	s2 =	simm.s32 @!p0 $0x1C09  }
0x16e: {  	[timem:s3], [sflag:s2] =	dma.local @!p0 [hbm:s0], s1  }
0x16f: {  	s0 =	simm.s32 @!p0 $0x9  }
0x170: {  	_ =	swait.ge @!p0 [sflag:s0], s1  }
0x171: {  	s1 =	ssub.s32 @!p0 $0x0, s1;
	[sflag:s0] =	ssyncset.done @!p0 $0x0  }
0x172: {  	[sflag:s0] =	ssyncadd.s32 @!p0 s1  }
0x173: {  	[bflag:$0x3] =	sbarrier.arrive $0xFFFF  }
0x174: {  	_ =	shalt  }

</sc_bundles>
